<compile_context>
chip_gen: v7x
topology: tpu7x:2x2x1
jax: 0.10.2.dev20260603
libtpu: 0.0.44.dev20260713+nightly
codegen_flags: <defaults>
</compile_context>

<pallas_src>
import functools

import jax
import jax.numpy as jnp
from jax import lax
from jax.experimental import pallas as pl
from jax.experimental.pallas import tpu as pltpu
from jax.experimental.pallas import tpu_sc as plsc

_NC = 2
_NS = 16
_NW = _NC * _NS

_CH = 16
_NBUF = 7
_LOOKAHEAD = 3


def _sc_body(emb_hbm, out_hbm, buf, lsem, ssem, *, rows_per_w, dim):
    cid = lax.axis_index("c")
    sid = lax.axis_index("s")
    wid = sid * _NC + cid
    base = wid * rows_per_w

    chunks = []
    off = 0
    while off < rows_per_w:
        sz = min(_CH, rows_per_w - off)
        chunks.append((off, sz))
        off += sz
    nchunks = len(chunks)

    def load_pair(i):
        off, sz = chunks[i]
        return (emb_hbm.at[pl.ds(base + off, sz)],
                buf.at[i % _NBUF, pl.ds(0, sz)], lsem.at[i % _NBUF])

    def store_pair(i):
        off, sz = chunks[i]
        return (buf.at[i % _NBUF, pl.ds(0, sz)],
                out_hbm.at[pl.ds(base + off, sz)], ssem.at[i % _NBUF])

    for i in range(min(_LOOKAHEAD, nchunks)):
        pltpu.async_copy(*load_pair(i))
    for i in range(nchunks):
        pltpu.make_async_copy(*load_pair(i)).wait()
        pltpu.async_copy(*store_pair(i))
        ni = i + _LOOKAHEAD
        if ni < nchunks:
            prev = ni - _NBUF
            if prev >= 0:
                pltpu.make_async_copy(*store_pair(prev)).wait()
            pltpu.async_copy(*load_pair(ni))
    for i in range(max(0, nchunks - _NBUF), nchunks):
        pltpu.make_async_copy(*store_pair(i)).wait()


def kernel(x, emb):
    seq_len = x.shape[1]
    dim = emb.shape[1]
    rows_per_w = seq_len // _NW
    mesh = plsc.VectorSubcoreMesh(core_axis_name="c", subcore_axis_name="s")
    body = functools.partial(_sc_body, rows_per_w=rows_per_w, dim=dim)
    return pl.kernel(
        body,
        out_type=jax.ShapeDtypeStruct((seq_len, dim), emb.dtype),
        mesh=mesh,
        scratch_types=[
            pltpu.VMEM((_NBUF, _CH, dim), emb.dtype),
            pltpu.SemaphoreType.DMA((_NBUF,)),
            pltpu.SemaphoreType.DMA((_NBUF,)),
        ],
    )(emb[:seq_len])

# --- scband reference (transcript-rebuilt; emitter-appended) ---
"""Pipeline reference for scband-absolute-positional-embedding-2714419331378 (READ-ONLY COPY).

The authoritative reference and input builder live on the scoring server;
editing this copy changes nothing except your own understanding.
"""

import jax, jax.numpy as jnp
import numpy as np

DIM = 1024
MAX_SEQ_LEN = 8192

def setup_inputs(seed: int = 0) -> dict:
    key = jax.random.key(seed)
    k1, k2 = jax.random.split(key)
    x = jax.random.normal(k1, (4, 8192, DIM), dtype=jnp.float32)
    emb = jax.random.normal(k2, (MAX_SEQ_LEN, DIM), dtype=jnp.float32) * 0.02
    return {"x": x, "emb": emb}

def reference(x, emb):
    t = jnp.arange(x.shape[1])
    return jnp.take(emb, t, axis=0)

if __name__ == "__main__":
    import jax
    _d = setup_inputs()
    print(jax.jit(kernel)(*tuple(_d.values())))

</pallas_src>

<mosaic_0001>
#map = affine_map<(d0, d1) -> (0, 0)>
module attributes {stable_mosaic.version = 14 : i64} {
  func.func @_sc_body(%arg0: i32, %arg1: i32, %arg2: memref<8192x1024xf32, #tpu.memory_space<hbm>>, %arg3: memref<8192x1024xf32, #tpu.memory_space<hbm>>, %arg4: memref<7x16x1024xf32, #tpu.memory_space<vmem>>, %arg5: memref<7x!tpu.dma_semaphore, #tpu.memory_space<semaphore_mem>>, %arg6: memref<7x!tpu.dma_semaphore, #tpu.memory_space<semaphore_mem>>) attributes {dimension_semantics = [#tpu.dimension_semantics<core_parallel>, #tpu.dimension_semantics<subcore_parallel>], iteration_bounds = array<i64: 2, 16>, scalar_prefetch = 0 : i64, scratch_operands = 3 : i64, tpu.core_type = #tpu.core_type<sc_vector_subcore>, window_params = [{transform_indices = #map}, {transform_indices = #map}]} {
    %mul3A = arith.constant 2 : i32
    %mul3A_0 = arith.muli %arg1, %mul3A : i32
    %add3A = arith.addi %mul3A_0, %arg0 : i32
    %mul3A_1 = arith.constant 256 : i32
    %mul3A_2 = arith.muli %add3A, %mul3A_1 : i32
    %add3A_3 = arith.constant 0 : i32
    %add3A_4 = arith.addi %mul3A_2, %add3A_3 : i32
    %dma_start3A = arith.constant 0 : i32
    %dma_start3A_5 = arith.constant 0 : i32
    %dma_start3A_6 = arith.constant 0 : i32
    %dma_start3A_7 = arith.constant 0 : i32
    %dma_start3A_8 = tpu.memref_slice %arg4[%dma_start3A, %dma_start3A_6, %dma_start3A_7] : memref<7x16x1024xf32, #tpu.memory_space<vmem>> -> memref<1x16x1024xf32, #tpu.memory_space<vmem>>
    %dma_start3A_9 = tpu.memref_squeeze %dma_start3A_8 : memref<1x16x1024xf32, #tpu.memory_space<vmem>> -> memref<16x1024xf32, #tpu.memory_space<vmem>>
    %dma_start3A_10 = arith.constant 0 : i32
    %dma_start3A_11 = tpu.memref_slice %arg2[%add3A_4, %dma_start3A_10] : memref<8192x1024xf32, #tpu.memory_space<hbm>> -> memref<16x1024xf32, #tpu.memory_space<hbm>>
    %dma_start3A_12 = tpu.memref_slice %arg5[%dma_start3A_5] : memref<7x!tpu.dma_semaphore, #tpu.memory_space<semaphore_mem>> -> memref<1x!tpu.dma_semaphore, #tpu.memory_space<semaphore_mem>>
    %dma_start3A_13 = tpu.memref_squeeze %dma_start3A_12 : memref<1x!tpu.dma_semaphore, #tpu.memory_space<semaphore_mem>> -> memref<!tpu.dma_semaphore, #tpu.memory_space<semaphore_mem>>
    %dma_start3A_14 = arith.constant 0 : i32
    %dma_start3A_15 = arith.constant 0 : i32
    %dma_start3A_16 = tpu.memref_slice %arg4[%dma_start3A, %dma_start3A_14, %dma_start3A_15] : memref<7x16x1024xf32, #tpu.memory_space<vmem>> -> memref<1x16x1024xf32, #tpu.memory_space<vmem>>
    %dma_start3A_17 = tpu.memref_squeeze %dma_start3A_16 : memref<1x16x1024xf32, #tpu.memory_space<vmem>> -> memref<16x1024xf32, #tpu.memory_space<vmem>>
    %dma_start3A_18 = arith.constant 0 : i32
    %dma_start3A_19 = tpu.memref_slice %arg2[%add3A_4, %dma_start3A_18] : memref<8192x1024xf32, #tpu.memory_space<hbm>> -> memref<16x1024xf32, #tpu.memory_space<hbm>>
    tpu.enqueue_dma source(%dma_start3A_19 : memref<16x1024xf32, #tpu.memory_space<hbm>>) target(%dma_start3A_17 : memref<16x1024xf32, #tpu.memory_space<vmem>>) target_semaphore(%dma_start3A_13 : memref<!tpu.dma_semaphore, #tpu.memory_space<semaphore_mem>>)
    %add3A_20 = arith.constant 16 : i32
    %add3A_21 = arith.addi %mul3A_2, %add3A_20 : i32
    %dma_start3A_22 = arith.constant 1 : i32
    %dma_start3A_23 = arith.constant 1 : i32
    %dma_start3A_24 = arith.constant 0 : i32
    %dma_start3A_25 = arith.constant 0 : i32
    %dma_start3A_26 = tpu.memref_slice %arg4[%dma_start3A_22, %dma_start3A_24, %dma_start3A_25] : memref<7x16x1024xf32, #tpu.memory_space<vmem>> -> memref<1x16x1024xf32, #tpu.memory_space<vmem>>
    %dma_start3A_27 = tpu.memref_squeeze %dma_start3A_26 : memref<1x16x1024xf32, #tpu.memory_space<vmem>> -> memref<16x1024xf32, #tpu.memory_space<vmem>>
    %dma_start3A_28 = arith.constant 0 : i32
    %dma_start3A_29 = tpu.memref_slice %arg2[%add3A_21, %dma_start3A_28] : memref<8192x1024xf32, #tpu.memory_space<hbm>> -> memref<16x1024xf32, #tpu.memory_space<hbm>>
    %dma_start3A_30 = tpu.memref_slice %arg5[%dma_start3A_23] : memref<7x!tpu.dma_semaphore, #tpu.memory_space<semaphore_mem>> -> memref<1x!tpu.dma_semaphore, #tpu.memory_space<semaphore_mem>>
    %dma_start3A_31 = tpu.memref_squeeze %dma_start3A_30 : memref<1x!tpu.dma_semaphore, #tpu.memory_space<semaphore_mem>> -> memref<!tpu.dma_semaphore, #tpu.memory_space<semaphore_mem>>
    %dma_start3A_32 = arith.constant 0 : i32
    %dma_start3A_33 = arith.constant 0 : i32
    %dma_start3A_34 = tpu.memref_slice %arg4[%dma_start3A_22, %dma_start3A_32, %dma_start3A_33] : memref<7x16x1024xf32, #tpu.memory_space<vmem>> -> memref<1x16x1024xf32, #tpu.memory_space<vmem>>
    %dma_start3A_35 = tpu.memref_squeeze %dma_start3A_34 : memref<1x16x1024xf32, #tpu.memory_space<vmem>> -> memref<16x1024xf32, #tpu.memory_space<vmem>>
    %dma_start3A_36 = arith.constant 0 : i32
    %dma_start3A_37 = tpu.memref_slice %arg2[%add3A_21, %dma_start3A_36] : memref<8192x1024xf32, #tpu.memory_space<hbm>> -> memref<16x1024xf32, #tpu.memory_space<hbm>>
    tpu.enqueue_dma source(%dma_start3A_37 : memref<16x1024xf32, #tpu.memory_space<hbm>>) target(%dma_start3A_35 : memref<16x1024xf32, #tpu.memory_space<vmem>>) target_semaphore(%dma_start3A_31 : memref<!tpu.dma_semaphore, #tpu.memory_space<semaphore_mem>>)
    %add3A_38 = arith.constant 32 : i32
    %add3A_39 = arith.addi %mul3A_2, %add3A_38 : i32
    %dma_start3A_40 = arith.constant 2 : i32
    %dma_start3A_41 = arith.constant 2 : i32
    %dma_start3A_42 = arith.constant 0 : i32
    %dma_start3A_43 = arith.constant 0 : i32
    %dma_start3A_44 = tpu.memref_slice %arg4[%dma_start3A_40, %dma_start3A_42, %dma_start3A_43] : memref<7x16x1024xf32, #tpu.memory_space<vmem>> -> memref<1x16x1024xf32, #tpu.memory_space<vmem>>
    %dma_start3A_45 = tpu.memref_squeeze %dma_start3A_44 : memref<1x16x1024xf32, #tpu.memory_space<vmem>> -> memref<16x1024xf32, #tpu.memory_space<vmem>>
    %dma_start3A_46 = arith.constant 0 : i32
    %dma_start3A_47 = tpu.memref_slice %arg2[%add3A_39, %dma_start3A_46] : memref<8192x1024xf32, #tpu.memory_space<hbm>> -> memref<16x1024xf32, #tpu.memory_space<hbm>>
    %dma_start3A_48 = tpu.memref_slice %arg5[%dma_start3A_41] : memref<7x!tpu.dma_semaphore, #tpu.memory_space<semaphore_mem>> -> memref<1x!tpu.dma_semaphore, #tpu.memory_space<semaphore_mem>>
    %dma_start3A_49 = tpu.memref_squeeze %dma_start3A_48 : memref<1x!tpu.dma_semaphore, #tpu.memory_space<semaphore_mem>> -> memref<!tpu.dma_semaphore, #tpu.memory_space<semaphore_mem>>
    %dma_start3A_50 = arith.constant 0 : i32
    %dma_start3A_51 = arith.constant 0 : i32
    %dma_start3A_52 = tpu.memref_slice %arg4[%dma_start3A_40, %dma_start3A_50, %dma_start3A_51] : memref<7x16x1024xf32, #tpu.memory_space<vmem>> -> memref<1x16x1024xf32, #tpu.memory_space<vmem>>
    %dma_start3A_53 = tpu.memref_squeeze %dma_start3A_52 : memref<1x16x1024xf32, #tpu.memory_space<vmem>> -> memref<16x1024xf32, #tpu.memory_space<vmem>>
    %dma_start3A_54 = arith.constant 0 : i32
    %dma_start3A_55 = tpu.memref_slice %arg2[%add3A_39, %dma_start3A_54] : memref<8192x1024xf32, #tpu.memory_space<hbm>> -> memref<16x1024xf32, #tpu.memory_space<hbm>>
    tpu.enqueue_dma source(%dma_start3A_55 : memref<16x1024xf32, #tpu.memory_space<hbm>>) target(%dma_start3A_53 : memref<16x1024xf32, #tpu.memory_space<vmem>>) target_semaphore(%dma_start3A_49 : memref<!tpu.dma_semaphore, #tpu.memory_space<semaphore_mem>>)
    %add3A_56 = arith.constant 0 : i32
    %add3A_57 = arith.addi %mul3A_2, %add3A_56 : i32
    %dma_wait3A = arith.constant 0 : i32
    %dma_wait3A_58 = arith.constant 0 : i32
    %dma_wait3A_59 = arith.constant 0 : i32
    %dma_wait3A_60 = arith.constant 0 : i32
    %dma_wait3A_61 = tpu.memref_slice %arg4[%dma_wait3A, %dma_wait3A_59, %dma_wait3A_60] : memref<7x16x1024xf32, #tpu.memory_space<vmem>> -> memref<1x16x1024xf32, #tpu.memory_space<vmem>>
    %dma_wait3A_62 = tpu.memref_squeeze %dma_wait3A_61 : memref<1x16x1024xf32, #tpu.memory_space<vmem>> -> memref<16x1024xf32, #tpu.memory_space<vmem>>
    %dma_wait3A_63 = arith.constant 0 : i32
    %dma_wait3A_64 = tpu.memref_slice %arg2[%add3A_57, %dma_wait3A_63] : memref<8192x1024xf32, #tpu.memory_space<hbm>> -> memref<16x1024xf32, #tpu.memory_space<hbm>>
    %dma_wait3A_65 = tpu.memref_slice %arg5[%dma_wait3A_58] : memref<7x!tpu.dma_semaphore, #tpu.memory_space<semaphore_mem>> -> memref<1x!tpu.dma_semaphore, #tpu.memory_space<semaphore_mem>>
    %dma_wait3A_66 = tpu.memref_squeeze %dma_wait3A_65 : memref<1x!tpu.dma_semaphore, #tpu.memory_space<semaphore_mem>> -> memref<!tpu.dma_semaphore, #tpu.memory_space<semaphore_mem>>
    %dma_wait3A_67 = arith.constant 0 : i32
    %dma_wait3A_68 = arith.constant 0 : i32
    %dma_wait3A_69 = tpu.memref_slice %arg4[%dma_wait3A, %dma_wait3A_67, %dma_wait3A_68] : memref<7x16x1024xf32, #tpu.memory_space<vmem>> -> memref<1x16x1024xf32, #tpu.memory_space<vmem>>
    %dma_wait3A_70 = tpu.memref_squeeze %dma_wait3A_69 : memref<1x16x1024xf32, #tpu.memory_space<vmem>> -> memref<16x1024xf32, #tpu.memory_space<vmem>>
    %dma_wait3A_71 = arith.constant 0 : i32
    %dma_wait3A_72 = tpu.memref_slice %arg2[%add3A_57, %dma_wait3A_71] : memref<8192x1024xf32, #tpu.memory_space<hbm>> -> memref<16x1024xf32, #tpu.memory_space<hbm>>
    tpu.wait_dma2 semaphore(%dma_wait3A_66 : memref<!tpu.dma_semaphore, #tpu.memory_space<semaphore_mem>>) src(%dma_wait3A_72 : memref<16x1024xf32, #tpu.memory_space<hbm>>) dst(%dma_wait3A_70 : memref<16x1024xf32, #tpu.memory_space<vmem>>)
    %add3A_73 = arith.constant 0 : i32
    %add3A_74 = arith.addi %mul3A_2, %add3A_73 : i32
    %dma_start3A_75 = arith.constant 0 : i32
    %dma_start3A_76 = arith.constant 0 : i32
    %dma_start3A_77 = arith.constant 0 : i32
    %dma_start3A_78 = arith.constant 0 : i32
    %dma_start3A_79 = tpu.memref_slice %arg4[%dma_start3A_75, %dma_start3A_77, %dma_start3A_78] : memref<7x16x1024xf32, #tpu.memory_space<vmem>> -> memref<1x16x1024xf32, #tpu.memory_space<vmem>>
    %dma_start3A_80 = tpu.memref_squeeze %dma_start3A_79 : memref<1x16x1024xf32, #tpu.memory_space<vmem>> -> memref<16x1024xf32, #tpu.memory_space<vmem>>
    %dma_start3A_81 = arith.constant 0 : i32
    %dma_start3A_82 = tpu.memref_slice %arg3[%add3A_74, %dma_start3A_81] : memref<8192x1024xf32, #tpu.memory_space<hbm>> -> memref<16x1024xf32, #tpu.memory_space<hbm>>
    %dma_start3A_83 = tpu.memref_slice %arg6[%dma_start3A_76] : memref<7x!tpu.dma_semaphore, #tpu.memory_space<semaphore_mem>> -> memref<1x!tpu.dma_semaphore, #tpu.memory_space<semaphore_mem>>
    %dma_start3A_84 = tpu.memref_squeeze %dma_start3A_83 : memref<1x!tpu.dma_semaphore, #tpu.memory_space<semaphore_mem>> -> memref<!tpu.dma_semaphore, #tpu.memory_space<semaphore_mem>>
    %dma_start3A_85 = arith.constant 0 : i32
    %dma_start3A_86 = tpu.memref_slice %arg3[%add3A_74, %dma_start3A_85] : memref<8192x1024xf32, #tpu.memory_space<hbm>> -> memref<16x1024xf32, #tpu.memory_space<hbm>>
    %dma_start3A_87 = arith.constant 0 : i32
    %dma_start3A_88 = arith.constant 0 : i32
    %dma_start3A_89 = tpu.memref_slice %arg4[%dma_start3A_75, %dma_start3A_87, %dma_start3A_88] : memref<7x16x1024xf32, #tpu.memory_space<vmem>> -> memref<1x16x1024xf32, #tpu.memory_space<vmem>>
    %dma_start3A_90 = tpu.memref_squeeze %dma_start3A_89 : memref<1x16x1024xf32, #tpu.memory_space<vmem>> -> memref<16x1024xf32, #tpu.memory_space<vmem>>
    tpu.enqueue_dma source(%dma_start3A_90 : memref<16x1024xf32, #tpu.memory_space<vmem>>) target(%dma_start3A_86 : memref<16x1024xf32, #tpu.memory_space<hbm>>) target_semaphore(%dma_start3A_84 : memref<!tpu.dma_semaphore, #tpu.memory_space<semaphore_mem>>)
    %add3A_91 = arith.constant 48 : i32
    %add3A_92 = arith.addi %mul3A_2, %add3A_91 : i32
    %dma_start3A_93 = arith.constant 3 : i32
    %dma_start3A_94 = arith.constant 3 : i32
    %dma_start3A_95 = arith.constant 0 : i32
    %dma_start3A_96 = arith.constant 0 : i32
    %dma_start3A_97 = tpu.memref_slice %arg4[%dma_start3A_93, %dma_start3A_95, %dma_start3A_96] : memref<7x16x1024xf32, #tpu.memory_space<vmem>> -> memref<1x16x1024xf32, #tpu.memory_space<vmem>>
    %dma_start3A_98 = tpu.memref_squeeze %dma_start3A_97 : memref<1x16x1024xf32, #tpu.memory_space<vmem>> -> memref<16x1024xf32, #tpu.memory_space<vmem>>
    %dma_start3A_99 = arith.constant 0 : i32
    %dma_start3A_100 = tpu.memref_slice %arg2[%add3A_92, %dma_start3A_99] : memref<8192x1024xf32, #tpu.memory_space<hbm>> -> memref<16x1024xf32, #tpu.memory_space<hbm>>
    %dma_start3A_101 = tpu.memref_slice %arg5[%dma_start3A_94] : memref<7x!tpu.dma_semaphore, #tpu.memory_space<semaphore_mem>> -> memref<1x!tpu.dma_semaphore, #tpu.memory_space<semaphore_mem>>
    %dma_start3A_102 = tpu.memref_squeeze %dma_start3A_101 : memref<1x!tpu.dma_semaphore, #tpu.memory_space<semaphore_mem>> -> memref<!tpu.dma_semaphore, #tpu.memory_space<semaphore_mem>>
    %dma_start3A_103 = arith.constant 0 : i32
    %dma_start3A_104 = arith.constant 0 : i32
    %dma_start3A_105 = tpu.memref_slice %arg4[%dma_start3A_93, %dma_start3A_103, %dma_start3A_104] : memref<7x16x1024xf32, #tpu.memory_space<vmem>> -> memref<1x16x1024xf32, #tpu.memory_space<vmem>>
    %dma_start3A_106 = tpu.memref_squeeze %dma_start3A_105 : memref<1x16x1024xf32, #tpu.memory_space<vmem>> -> memref<16x1024xf32, #tpu.memory_space<vmem>>
    %dma_start3A_107 = arith.constant 0 : i32
    %dma_start3A_108 = tpu.memref_slice %arg2[%add3A_92, %dma_start3A_107] : memref<8192x1024xf32, #tpu.memory_space<hbm>> -> memref<16x1024xf32, #tpu.memory_space<hbm>>
    tpu.enqueue_dma source(%dma_start3A_108 : memref<16x1024xf32, #tpu.memory_space<hbm>>) target(%dma_start3A_106 : memref<16x1024xf32, #tpu.memory_space<vmem>>) target_semaphore(%dma_start3A_102 : memref<!tpu.dma_semaphore, #tpu.memory_space<semaphore_mem>>)
    %add3A_109 = arith.constant 16 : i32
    %add3A_110 = arith.addi %mul3A_2, %add3A_109 : i32
    %dma_wait3A_111 = arith.constant 1 : i32
    %dma_wait3A_112 = arith.constant 1 : i32
    %dma_wait3A_113 = arith.constant 0 : i32
    %dma_wait3A_114 = arith.constant 0 : i32
    %dma_wait3A_115 = tpu.memref_slice %arg4[%dma_wait3A_111, %dma_wait3A_113, %dma_wait3A_114] : memref<7x16x1024xf32, #tpu.memory_space<vmem>> -> memref<1x16x1024xf32, #tpu.memory_space<vmem>>
    %dma_wait3A_116 = tpu.memref_squeeze %dma_wait3A_115 : memref<1x16x1024xf32, #tpu.memory_space<vmem>> -> memref<16x1024xf32, #tpu.memory_space<vmem>>
    %dma_wait3A_117 = arith.constant 0 : i32
    %dma_wait3A_118 = tpu.memref_slice %arg2[%add3A_110, %dma_wait3A_117] : memref<8192x1024xf32, #tpu.memory_space<hbm>> -> memref<16x1024xf32, #tpu.memory_space<hbm>>
    %dma_wait3A_119 = tpu.memref_slice %arg5[%dma_wait3A_112] : memref<7x!tpu.dma_semaphore, #tpu.memory_space<semaphore_mem>> -> memref<1x!tpu.dma_semaphore, #tpu.memory_space<semaphore_mem>>
    %dma_wait3A_120 = tpu.memref_squeeze %dma_wait3A_119 : memref<1x!tpu.dma_semaphore, #tpu.memory_space<semaphore_mem>> -> memref<!tpu.dma_semaphore, #tpu.memory_space<semaphore_mem>>
    %dma_wait3A_121 = arith.constant 0 : i32
    %dma_wait3A_122 = arith.constant 0 : i32
    %dma_wait3A_123 = tpu.memref_slice %arg4[%dma_wait3A_111, %dma_wait3A_121, %dma_wait3A_122] : memref<7x16x1024xf32, #tpu.memory_space<vmem>> -> memref<1x16x1024xf32, #tpu.memory_space<vmem>>
    %dma_wait3A_124 = tpu.memref_squeeze %dma_wait3A_123 : memref<1x16x1024xf32, #tpu.memory_space<vmem>> -> memref<16x1024xf32, #tpu.memory_space<vmem>>
    %dma_wait3A_125 = arith.constant 0 : i32
    %dma_wait3A_126 = tpu.memref_slice %arg2[%add3A_110, %dma_wait3A_125] : memref<8192x1024xf32, #tpu.memory_space<hbm>> -> memref<16x1024xf32, #tpu.memory_space<hbm>>
    tpu.wait_dma2 semaphore(%dma_wait3A_120 : memref<!tpu.dma_semaphore, #tpu.memory_space<semaphore_mem>>) src(%dma_wait3A_126 : memref<16x1024xf32, #tpu.memory_space<hbm>>) dst(%dma_wait3A_124 : memref<16x1024xf32, #tpu.memory_space<vmem>>)
    %add3A_127 = arith.constant 16 : i32
    %add3A_128 = arith.addi %mul3A_2, %add3A_127 : i32
    %dma_start3A_129 = arith.constant 1 : i32
    %dma_start3A_130 = arith.constant 1 : i32
    %dma_start3A_131 = arith.constant 0 : i32
    %dma_start3A_132 = arith.constant 0 : i32
    %dma_start3A_133 = tpu.memref_slice %arg4[%dma_start3A_129, %dma_start3A_131, %dma_start3A_132] : memref<7x16x1024xf32, #tpu.memory_space<vmem>> -> memref<1x16x1024xf32, #tpu.memory_space<vmem>>
    %dma_start3A_134 = tpu.memref_squeeze %dma_start3A_133 : memref<1x16x1024xf32, #tpu.memory_space<vmem>> -> memref<16x1024xf32, #tpu.memory_space<vmem>>
    %dma_start3A_135 = arith.constant 0 : i32
    %dma_start3A_136 = tpu.memref_slice %arg3[%add3A_128, %dma_start3A_135] : memref<8192x1024xf32, #tpu.memory_space<hbm>> -> memref<16x1024xf32, #tpu.memory_space<hbm>>
    %dma_start3A_137 = tpu.memref_slice %arg6[%dma_start3A_130] : memref<7x!tpu.dma_semaphore, #tpu.memory_space<semaphore_mem>> -> memref<1x!tpu.dma_semaphore, #tpu.memory_space<semaphore_mem>>
    %dma_start3A_138 = tpu.memref_squeeze %dma_start3A_137 : memref<1x!tpu.dma_semaphore, #tpu.memory_space<semaphore_mem>> -> memref<!tpu.dma_semaphore, #tpu.memory_space<semaphore_mem>>
    %dma_start3A_139 = arith.constant 0 : i32
    %dma_start3A_140 = tpu.memref_slice %arg3[%add3A_128, %dma_start3A_139] : memref<8192x1024xf32, #tpu.memory_space<hbm>> -> memref<16x1024xf32, #tpu.memory_space<hbm>>
    %dma_start3A_141 = arith.constant 0 : i32
    %dma_start3A_142 = arith.constant 0 : i32
    %dma_start3A_143 = tpu.memref_slice %arg4[%dma_start3A_129, %dma_start3A_141, %dma_start3A_142] : memref<7x16x1024xf32, #tpu.memory_space<vmem>> -> memref<1x16x1024xf32, #tpu.memory_space<vmem>>
    %dma_start3A_144 = tpu.memref_squeeze %dma_start3A_143 : memref<1x16x1024xf32, #tpu.memory_space<vmem>> -> memref<16x1024xf32, #tpu.memory_space<vmem>>
    tpu.enqueue_dma source(%dma_start3A_144 : memref<16x1024xf32, #tpu.memory_space<vmem>>) target(%dma_start3A_140 : memref<16x1024xf32, #tpu.memory_space<hbm>>) target_semaphore(%dma_start3A_138 : memref<!tpu.dma_semaphore, #tpu.memory_space<semaphore_mem>>)
    %add3A_145 = arith.constant 64 : i32
    %add3A_146 = arith.addi %mul3A_2, %add3A_145 : i32
    %dma_start3A_147 = arith.constant 4 : i32
    %dma_start3A_148 = arith.constant 4 : i32
    %dma_start3A_149 = arith.constant 0 : i32
    %dma_start3A_150 = arith.constant 0 : i32
    %dma_start3A_151 = tpu.memref_slice %arg4[%dma_start3A_147, %dma_start3A_149, %dma_start3A_150] : memref<7x16x1024xf32, #tpu.memory_space<vmem>> -> memref<1x16x1024xf32, #tpu.memory_space<vmem>>
    %dma_start3A_152 = tpu.memref_squeeze %dma_start3A_151 : memref<1x16x1024xf32, #tpu.memory_space<vmem>> -> memref<16x1024xf32, #tpu.memory_space<vmem>>
    %dma_start3A_153 = arith.constant 0 : i32
    %dma_start3A_154 = tpu.memref_slice %arg2[%add3A_146, %dma_start3A_153] : memref<8192x1024xf32, #tpu.memory_space<hbm>> -> memref<16x1024xf32, #tpu.memory_space<hbm>>
    %dma_start3A_155 = tpu.memref_slice %arg5[%dma_start3A_148] : memref<7x!tpu.dma_semaphore, #tpu.memory_space<semaphore_mem>> -> memref<1x!tpu.dma_semaphore, #tpu.memory_space<semaphore_mem>>
    %dma_start3A_156 = tpu.memref_squeeze %dma_start3A_155 : memref<1x!tpu.dma_semaphore, #tpu.memory_space<semaphore_mem>> -> memref<!tpu.dma_semaphore, #tpu.memory_space<semaphore_mem>>
    %dma_start3A_157 = arith.constant 0 : i32
    %dma_start3A_158 = arith.constant 0 : i32
    %dma_start3A_159 = tpu.memref_slice %arg4[%dma_start3A_147, %dma_start3A_157, %dma_start3A_158] : memref<7x16x1024xf32, #tpu.memory_space<vmem>> -> memref<1x16x1024xf32, #tpu.memory_space<vmem>>
    %dma_start3A_160 = tpu.memref_squeeze %dma_start3A_159 : memref<1x16x1024xf32, #tpu.memory_space<vmem>> -> memref<16x1024xf32, #tpu.memory_space<vmem>>
    %dma_start3A_161 = arith.constant 0 : i32
    %dma_start3A_162 = tpu.memref_slice %arg2[%add3A_146, %dma_start3A_161] : memref<8192x1024xf32, #tpu.memory_space<hbm>> -> memref<16x1024xf32, #tpu.memory_space<hbm>>
    tpu.enqueue_dma source(%dma_start3A_162 : memref<16x1024xf32, #tpu.memory_space<hbm>>) target(%dma_start3A_160 : memref<16x1024xf32, #tpu.memory_space<vmem>>) target_semaphore(%dma_start3A_156 : memref<!tpu.dma_semaphore, #tpu.memory_space<semaphore_mem>>)
    %add3A_163 = arith.constant 32 : i32
    %add3A_164 = arith.addi %mul3A_2, %add3A_163 : i32
    %dma_wait3A_165 = arith.constant 2 : i32
    %dma_wait3A_166 = arith.constant 2 : i32
    %dma_wait3A_167 = arith.constant 0 : i32
    %dma_wait3A_168 = arith.constant 0 : i32
    %dma_wait3A_169 = tpu.memref_slice %arg4[%dma_wait3A_165, %dma_wait3A_167, %dma_wait3A_168] : memref<7x16x1024xf32, #tpu.memory_space<vmem>> -> memref<1x16x1024xf32, #tpu.memory_space<vmem>>
    %dma_wait3A_170 = tpu.memref_squeeze %dma_wait3A_169 : memref<1x16x1024xf32, #tpu.memory_space<vmem>> -> memref<16x1024xf32, #tpu.memory_space<vmem>>
    %dma_wait3A_171 = arith.constant 0 : i32
    %dma_wait3A_172 = tpu.memref_slice %arg2[%add3A_164, %dma_wait3A_171] : memref<8192x1024xf32, #tpu.memory_space<hbm>> -> memref<16x1024xf32, #tpu.memory_space<hbm>>
    %dma_wait3A_173 = tpu.memref_slice %arg5[%dma_wait3A_166] : memref<7x!tpu.dma_semaphore, #tpu.memory_space<semaphore_mem>> -> memref<1x!tpu.dma_semaphore, #tpu.memory_space<semaphore_mem>>
    %dma_wait3A_174 = tpu.memref_squeeze %dma_wait3A_173 : memref<1x!tpu.dma_semaphore, #tpu.memory_space<semaphore_mem>> -> memref<!tpu.dma_semaphore, #tpu.memory_space<semaphore_mem>>
    %dma_wait3A_175 = arith.constant 0 : i32
    %dma_wait3A_176 = arith.constant 0 : i32
    %dma_wait3A_177 = tpu.memref_slice %arg4[%dma_wait3A_165, %dma_wait3A_175, %dma_wait3A_176] : memref<7x16x1024xf32, #tpu.memory_space<vmem>> -> memref<1x16x1024xf32, #tpu.memory_space<vmem>>
    %dma_wait3A_178 = tpu.memref_squeeze %dma_wait3A_177 : memref<1x16x1024xf32, #tpu.memory_space<vmem>> -> memref<16x1024xf32, #tpu.memory_space<vmem>>
    %dma_wait3A_179 = arith.constant 0 : i32
    %dma_wait3A_180 = tpu.memref_slice %arg2[%add3A_164, %dma_wait3A_179] : memref<8192x1024xf32, #tpu.memory_space<hbm>> -> memref<16x1024xf32, #tpu.memory_space<hbm>>
    tpu.wait_dma2 semaphore(%dma_wait3A_174 : memref<!tpu.dma_semaphore, #tpu.memory_space<semaphore_mem>>) src(%dma_wait3A_180 : memref<16x1024xf32, #tpu.memory_space<hbm>>) dst(%dma_wait3A_178 : memref<16x1024xf32, #tpu.memory_space<vmem>>)
    %add3A_181 = arith.constant 32 : i32
    %add3A_182 = arith.addi %mul3A_2, %add3A_181 : i32
    %dma_start3A_183 = arith.constant 2 : i32
    %dma_start3A_184 = arith.constant 2 : i32
    %dma_start3A_185 = arith.constant 0 : i32
    %dma_start3A_186 = arith.constant 0 : i32
    %dma_start3A_187 = tpu.memref_slice %arg4[%dma_start3A_183, %dma_start3A_185, %dma_start3A_186] : memref<7x16x1024xf32, #tpu.memory_space<vmem>> -> memref<1x16x1024xf32, #tpu.memory_space<vmem>>
    %dma_start3A_188 = tpu.memref_squeeze %dma_start3A_187 : memref<1x16x1024xf32, #tpu.memory_space<vmem>> -> memref<16x1024xf32, #tpu.memory_space<vmem>>
    %dma_start3A_189 = arith.constant 0 : i32
    %dma_start3A_190 = tpu.memref_slice %arg3[%add3A_182, %dma_start3A_189] : memref<8192x1024xf32, #tpu.memory_space<hbm>> -> memref<16x1024xf32, #tpu.memory_space<hbm>>
    %dma_start3A_191 = tpu.memref_slice %arg6[%dma_start3A_184] : memref<7x!tpu.dma_semaphore, #tpu.memory_space<semaphore_mem>> -> memref<1x!tpu.dma_semaphore, #tpu.memory_space<semaphore_mem>>
    %dma_start3A_192 = tpu.memref_squeeze %dma_start3A_191 : memref<1x!tpu.dma_semaphore, #tpu.memory_space<semaphore_mem>> -> memref<!tpu.dma_semaphore, #tpu.memory_space<semaphore_mem>>
    %dma_start3A_193 = arith.constant 0 : i32
    %dma_start3A_194 = tpu.memref_slice %arg3[%add3A_182, %dma_start3A_193] : memref<8192x1024xf32, #tpu.memory_space<hbm>> -> memref<16x1024xf32, #tpu.memory_space<hbm>>
    %dma_start3A_195 = arith.constant 0 : i32
    %dma_start3A_196 = arith.constant 0 : i32
    %dma_start3A_197 = tpu.memref_slice %arg4[%dma_start3A_183, %dma_start3A_195, %dma_start3A_196] : memref<7x16x1024xf32, #tpu.memory_space<vmem>> -> memref<1x16x1024xf32, #tpu.memory_space<vmem>>
    %dma_start3A_198 = tpu.memref_squeeze %dma_start3A_197 : memref<1x16x1024xf32, #tpu.memory_space<vmem>> -> memref<16x1024xf32, #tpu.memory_space<vmem>>
    tpu.enqueue_dma source(%dma_start3A_198 : memref<16x1024xf32, #tpu.memory_space<vmem>>) target(%dma_start3A_194 : memref<16x1024xf32, #tpu.memory_space<hbm>>) target_semaphore(%dma_start3A_192 : memref<!tpu.dma_semaphore, #tpu.memory_space<semaphore_mem>>)
    %add3A_199 = arith.constant 80 : i32
    %add3A_200 = arith.addi %mul3A_2, %add3A_199 : i32
    %dma_start3A_201 = arith.constant 5 : i32
    %dma_start3A_202 = arith.constant 5 : i32
    %dma_start3A_203 = arith.constant 0 : i32
    %dma_start3A_204 = arith.constant 0 : i32
    %dma_start3A_205 = tpu.memref_slice %arg4[%dma_start3A_201, %dma_start3A_203, %dma_start3A_204] : memref<7x16x1024xf32, #tpu.memory_space<vmem>> -> memref<1x16x1024xf32, #tpu.memory_space<vmem>>
    %dma_start3A_206 = tpu.memref_squeeze %dma_start3A_205 : memref<1x16x1024xf32, #tpu.memory_space<vmem>> -> memref<16x1024xf32, #tpu.memory_space<vmem>>
    %dma_start3A_207 = arith.constant 0 : i32
    %dma_start3A_208 = tpu.memref_slice %arg2[%add3A_200, %dma_start3A_207] : memref<8192x1024xf32, #tpu.memory_space<hbm>> -> memref<16x1024xf32, #tpu.memory_space<hbm>>
    %dma_start3A_209 = tpu.memref_slice %arg5[%dma_start3A_202] : memref<7x!tpu.dma_semaphore, #tpu.memory_space<semaphore_mem>> -> memref<1x!tpu.dma_semaphore, #tpu.memory_space<semaphore_mem>>
    %dma_start3A_210 = tpu.memref_squeeze %dma_start3A_209 : memref<1x!tpu.dma_semaphore, #tpu.memory_space<semaphore_mem>> -> memref<!tpu.dma_semaphore, #tpu.memory_space<semaphore_mem>>
    %dma_start3A_211 = arith.constant 0 : i32
    %dma_start3A_212 = arith.constant 0 : i32
    %dma_start3A_213 = tpu.memref_slice %arg4[%dma_start3A_201, %dma_start3A_211, %dma_start3A_212] : memref<7x16x1024xf32, #tpu.memory_space<vmem>> -> memref<1x16x1024xf32, #tpu.memory_space<vmem>>
    %dma_start3A_214 = tpu.memref_squeeze %dma_start3A_213 : memref<1x16x1024xf32, #tpu.memory_space<vmem>> -> memref<16x1024xf32, #tpu.memory_space<vmem>>
    %dma_start3A_215 = arith.constant 0 : i32
    %dma_start3A_216 = tpu.memref_slice %arg2[%add3A_200, %dma_start3A_215] : memref<8192x1024xf32, #tpu.memory_space<hbm>> -> memref<16x1024xf32, #tpu.memory_space<hbm>>
    tpu.enqueue_dma source(%dma_start3A_216 : memref<16x1024xf32, #tpu.memory_space<hbm>>) target(%dma_start3A_214 : memref<16x1024xf32, #tpu.memory_space<vmem>>) target_semaphore(%dma_start3A_210 : memref<!tpu.dma_semaphore, #tpu.memory_space<semaphore_mem>>)
    %add3A_217 = arith.constant 48 : i32
    %add3A_218 = arith.addi %mul3A_2, %add3A_217 : i32
    %dma_wait3A_219 = arith.constant 3 : i32
    %dma_wait3A_220 = arith.constant 3 : i32
    %dma_wait3A_221 = arith.constant 0 : i32
    %dma_wait3A_222 = arith.constant 0 : i32
    %dma_wait3A_223 = tpu.memref_slice %arg4[%dma_wait3A_219, %dma_wait3A_221, %dma_wait3A_222] : memref<7x16x1024xf32, #tpu.memory_space<vmem>> -> memref<1x16x1024xf32, #tpu.memory_space<vmem>>
    %dma_wait3A_224 = tpu.memref_squeeze %dma_wait3A_223 : memref<1x16x1024xf32, #tpu.memory_space<vmem>> -> memref<16x1024xf32, #tpu.memory_space<vmem>>
    %dma_wait3A_225 = arith.constant 0 : i32
    %dma_wait3A_226 = tpu.memref_slice %arg2[%add3A_218, %dma_wait3A_225] : memref<8192x1024xf32, #tpu.memory_space<hbm>> -> memref<16x1024xf32, #tpu.memory_space<hbm>>
    %dma_wait3A_227 = tpu.memref_slice %arg5[%dma_wait3A_220] : memref<7x!tpu.dma_semaphore, #tpu.memory_space<semaphore_mem>> -> memref<1x!tpu.dma_semaphore, #tpu.memory_space<semaphore_mem>>
    %dma_wait3A_228 = tpu.memref_squeeze %dma_wait3A_227 : memref<1x!tpu.dma_semaphore, #tpu.memory_space<semaphore_mem>> -> memref<!tpu.dma_semaphore, #tpu.memory_space<semaphore_mem>>
    %dma_wait3A_229 = arith.constant 0 : i32
    %dma_wait3A_230 = arith.constant 0 : i32
    %dma_wait3A_231 = tpu.memref_slice %arg4[%dma_wait3A_219, %dma_wait3A_229, %dma_wait3A_230] : memref<7x16x1024xf32, #tpu.memory_space<vmem>> -> memref<1x16x1024xf32, #tpu.memory_space<vmem>>
    %dma_wait3A_232 = tpu.memref_squeeze %dma_wait3A_231 : memref<1x16x1024xf32, #tpu.memory_space<vmem>> -> memref<16x1024xf32, #tpu.memory_space<vmem>>
    %dma_wait3A_233 = arith.constant 0 : i32
    %dma_wait3A_234 = tpu.memref_slice %arg2[%add3A_218, %dma_wait3A_233] : memref<8192x1024xf32, #tpu.memory_space<hbm>> -> memref<16x1024xf32, #tpu.memory_space<hbm>>
    tpu.wait_dma2 semaphore(%dma_wait3A_228 : memref<!tpu.dma_semaphore, #tpu.memory_space<semaphore_mem>>) src(%dma_wait3A_234 : memref<16x1024xf32, #tpu.memory_space<hbm>>) dst(%dma_wait3A_232 : memref<16x1024xf32, #tpu.memory_space<vmem>>)
    %add3A_235 = arith.constant 48 : i32
    %add3A_236 = arith.addi %mul3A_2, %add3A_235 : i32
    %dma_start3A_237 = arith.constant 3 : i32
    %dma_start3A_238 = arith.constant 3 : i32
    %dma_start3A_239 = arith.constant 0 : i32
    %dma_start3A_240 = arith.constant 0 : i32
    %dma_start3A_241 = tpu.memref_slice %arg4[%dma_start3A_237, %dma_start3A_239, %dma_start3A_240] : memref<7x16x1024xf32, #tpu.memory_space<vmem>> -> memref<1x16x1024xf32, #tpu.memory_space<vmem>>
    %dma_start3A_242 = tpu.memref_squeeze %dma_start3A_241 : memref<1x16x1024xf32, #tpu.memory_space<vmem>> -> memref<16x1024xf32, #tpu.memory_space<vmem>>
    %dma_start3A_243 = arith.constant 0 : i32
    %dma_start3A_244 = tpu.memref_slice %arg3[%add3A_236, %dma_start3A_243] : memref<8192x1024xf32, #tpu.memory_space<hbm>> -> memref<16x1024xf32, #tpu.memory_space<hbm>>
    %dma_start3A_245 = tpu.memref_slice %arg6[%dma_start3A_238] : memref<7x!tpu.dma_semaphore, #tpu.memory_space<semaphore_mem>> -> memref<1x!tpu.dma_semaphore, #tpu.memory_space<semaphore_mem>>
    %dma_start3A_246 = tpu.memref_squeeze %dma_start3A_245 : memref<1x!tpu.dma_semaphore, #tpu.memory_space<semaphore_mem>> -> memref<!tpu.dma_semaphore, #tpu.memory_space<semaphore_mem>>
    %dma_start3A_247 = arith.constant 0 : i32
    %dma_start3A_248 = tpu.memref_slice %arg3[%add3A_236, %dma_start3A_247] : memref<8192x1024xf32, #tpu.memory_space<hbm>> -> memref<16x1024xf32, #tpu.memory_space<hbm>>
    %dma_start3A_249 = arith.constant 0 : i32
    %dma_start3A_250 = arith.constant 0 : i32
    %dma_start3A_251 = tpu.memref_slice %arg4[%dma_start3A_237, %dma_start3A_249, %dma_start3A_250] : memref<7x16x1024xf32, #tpu.memory_space<vmem>> -> memref<1x16x1024xf32, #tpu.memory_space<vmem>>
    %dma_start3A_252 = tpu.memref_squeeze %dma_start3A_251 : memref<1x16x1024xf32, #tpu.memory_space<vmem>> -> memref<16x1024xf32, #tpu.memory_space<vmem>>
    tpu.enqueue_dma source(%dma_start3A_252 : memref<16x1024xf32, #tpu.memory_space<vmem>>) target(%dma_start3A_248 : memref<16x1024xf32, #tpu.memory_space<hbm>>) target_semaphore(%dma_start3A_246 : memref<!tpu.dma_semaphore, #tpu.memory_space<semaphore_mem>>)
    %add3A_253 = arith.constant 96 : i32
    %add3A_254 = arith.addi %mul3A_2, %add3A_253 : i32
    %dma_start3A_255 = arith.constant 6 : i32
    %dma_start3A_256 = arith.constant 6 : i32
    %dma_start3A_257 = arith.constant 0 : i32
    %dma_start3A_258 = arith.constant 0 : i32
    %dma_start3A_259 = tpu.memref_slice %arg4[%dma_start3A_255, %dma_start3A_257, %dma_start3A_258] : memref<7x16x1024xf32, #tpu.memory_space<vmem>> -> memref<1x16x1024xf32, #tpu.memory_space<vmem>>
    %dma_start3A_260 = tpu.memref_squeeze %dma_start3A_259 : memref<1x16x1024xf32, #tpu.memory_space<vmem>> -> memref<16x1024xf32, #tpu.memory_space<vmem>>
    %dma_start3A_261 = arith.constant 0 : i32
    %dma_start3A_262 = tpu.memref_slice %arg2[%add3A_254, %dma_start3A_261] : memref<8192x1024xf32, #tpu.memory_space<hbm>> -> memref<16x1024xf32, #tpu.memory_space<hbm>>
    %dma_start3A_263 = tpu.memref_slice %arg5[%dma_start3A_256] : memref<7x!tpu.dma_semaphore, #tpu.memory_space<semaphore_mem>> -> memref<1x!tpu.dma_semaphore, #tpu.memory_space<semaphore_mem>>
    %dma_start3A_264 = tpu.memref_squeeze %dma_start3A_263 : memref<1x!tpu.dma_semaphore, #tpu.memory_space<semaphore_mem>> -> memref<!tpu.dma_semaphore, #tpu.memory_space<semaphore_mem>>
    %dma_start3A_265 = arith.constant 0 : i32
    %dma_start3A_266 = arith.constant 0 : i32
    %dma_start3A_267 = tpu.memref_slice %arg4[%dma_start3A_255, %dma_start3A_265, %dma_start3A_266] : memref<7x16x1024xf32, #tpu.memory_space<vmem>> -> memref<1x16x1024xf32, #tpu.memory_space<vmem>>
    %dma_start3A_268 = tpu.memref_squeeze %dma_start3A_267 : memref<1x16x1024xf32, #tpu.memory_space<vmem>> -> memref<16x1024xf32, #tpu.memory_space<vmem>>
    %dma_start3A_269 = arith.constant 0 : i32
    %dma_start3A_270 = tpu.memref_slice %arg2[%add3A_254, %dma_start3A_269] : memref<8192x1024xf32, #tpu.memory_space<hbm>> -> memref<16x1024xf32, #tpu.memory_space<hbm>>
    tpu.enqueue_dma source(%dma_start3A_270 : memref<16x1024xf32, #tpu.memory_space<hbm>>) target(%dma_start3A_268 : memref<16x1024xf32, #tpu.memory_space<vmem>>) target_semaphore(%dma_start3A_264 : memref<!tpu.dma_semaphore, #tpu.memory_space<semaphore_mem>>)
    %add3A_271 = arith.constant 64 : i32
    %add3A_272 = arith.addi %mul3A_2, %add3A_271 : i32
    %dma_wait3A_273 = arith.constant 4 : i32
    %dma_wait3A_274 = arith.constant 4 : i32
    %dma_wait3A_275 = arith.constant 0 : i32
    %dma_wait3A_276 = arith.constant 0 : i32
    %dma_wait3A_277 = tpu.memref_slice %arg4[%dma_wait3A_273, %dma_wait3A_275, %dma_wait3A_276] : memref<7x16x1024xf32, #tpu.memory_space<vmem>> -> memref<1x16x1024xf32, #tpu.memory_space<vmem>>
    %dma_wait3A_278 = tpu.memref_squeeze %dma_wait3A_277 : memref<1x16x1024xf32, #tpu.memory_space<vmem>> -> memref<16x1024xf32, #tpu.memory_space<vmem>>
    %dma_wait3A_279 = arith.constant 0 : i32
    %dma_wait3A_280 = tpu.memref_slice %arg2[%add3A_272, %dma_wait3A_279] : memref<8192x1024xf32, #tpu.memory_space<hbm>> -> memref<16x1024xf32, #tpu.memory_space<hbm>>
    %dma_wait3A_281 = tpu.memref_slice %arg5[%dma_wait3A_274] : memref<7x!tpu.dma_semaphore, #tpu.memory_space<semaphore_mem>> -> memref<1x!tpu.dma_semaphore, #tpu.memory_space<semaphore_mem>>
    %dma_wait3A_282 = tpu.memref_squeeze %dma_wait3A_281 : memref<1x!tpu.dma_semaphore, #tpu.memory_space<semaphore_mem>> -> memref<!tpu.dma_semaphore, #tpu.memory_space<semaphore_mem>>
    %dma_wait3A_283 = arith.constant 0 : i32
    %dma_wait3A_284 = arith.constant 0 : i32
    %dma_wait3A_285 = tpu.memref_slice %arg4[%dma_wait3A_273, %dma_wait3A_283, %dma_wait3A_284] : memref<7x16x1024xf32, #tpu.memory_space<vmem>> -> memref<1x16x1024xf32, #tpu.memory_space<vmem>>
    %dma_wait3A_286 = tpu.memref_squeeze %dma_wait3A_285 : memref<1x16x1024xf32, #tpu.memory_space<vmem>> -> memref<16x1024xf32, #tpu.memory_space<vmem>>
    %dma_wait3A_287 = arith.constant 0 : i32
    %dma_wait3A_288 = tpu.memref_slice %arg2[%add3A_272, %dma_wait3A_287] : memref<8192x1024xf32, #tpu.memory_space<hbm>> -> memref<16x1024xf32, #tpu.memory_space<hbm>>
    tpu.wait_dma2 semaphore(%dma_wait3A_282 : memref<!tpu.dma_semaphore, #tpu.memory_space<semaphore_mem>>) src(%dma_wait3A_288 : memref<16x1024xf32, #tpu.memory_space<hbm>>) dst(%dma_wait3A_286 : memref<16x1024xf32, #tpu.memory_space<vmem>>)
    %add3A_289 = arith.constant 64 : i32
    %add3A_290 = arith.addi %mul3A_2, %add3A_289 : i32
    %dma_start3A_291 = arith.constant 4 : i32
    %dma_start3A_292 = arith.constant 4 : i32
    %dma_start3A_293 = arith.constant 0 : i32
    %dma_start3A_294 = arith.constant 0 : i32
    %dma_start3A_295 = tpu.memref_slice %arg4[%dma_start3A_291, %dma_start3A_293, %dma_start3A_294] : memref<7x16x1024xf32, #tpu.memory_space<vmem>> -> memref<1x16x1024xf32, #tpu.memory_space<vmem>>
    %dma_start3A_296 = tpu.memref_squeeze %dma_start3A_295 : memref<1x16x1024xf32, #tpu.memory_space<vmem>> -> memref<16x1024xf32, #tpu.memory_space<vmem>>
    %dma_start3A_297 = arith.constant 0 : i32
    %dma_start3A_298 = tpu.memref_slice %arg3[%add3A_290, %dma_start3A_297] : memref<8192x1024xf32, #tpu.memory_space<hbm>> -> memref<16x1024xf32, #tpu.memory_space<hbm>>
    %dma_start3A_299 = tpu.memref_slice %arg6[%dma_start3A_292] : memref<7x!tpu.dma_semaphore, #tpu.memory_space<semaphore_mem>> -> memref<1x!tpu.dma_semaphore, #tpu.memory_space<semaphore_mem>>
    %dma_start3A_300 = tpu.memref_squeeze %dma_start3A_299 : memref<1x!tpu.dma_semaphore, #tpu.memory_space<semaphore_mem>> -> memref<!tpu.dma_semaphore, #tpu.memory_space<semaphore_mem>>
    %dma_start3A_301 = arith.constant 0 : i32
    %dma_start3A_302 = tpu.memref_slice %arg3[%add3A_290, %dma_start3A_301] : memref<8192x1024xf32, #tpu.memory_space<hbm>> -> memref<16x1024xf32, #tpu.memory_space<hbm>>
    %dma_start3A_303 = arith.constant 0 : i32
    %dma_start3A_304 = arith.constant 0 : i32
    %dma_start3A_305 = tpu.memref_slice %arg4[%dma_start3A_291, %dma_start3A_303, %dma_start3A_304] : memref<7x16x1024xf32, #tpu.memory_space<vmem>> -> memref<1x16x1024xf32, #tpu.memory_space<vmem>>
    %dma_start3A_306 = tpu.memref_squeeze %dma_start3A_305 : memref<1x16x1024xf32, #tpu.memory_space<vmem>> -> memref<16x1024xf32, #tpu.memory_space<vmem>>
    tpu.enqueue_dma source(%dma_start3A_306 : memref<16x1024xf32, #tpu.memory_space<vmem>>) target(%dma_start3A_302 : memref<16x1024xf32, #tpu.memory_space<hbm>>) target_semaphore(%dma_start3A_300 : memref<!tpu.dma_semaphore, #tpu.memory_space<semaphore_mem>>)
    %add3A_307 = arith.constant 0 : i32
    %add3A_308 = arith.addi %mul3A_2, %add3A_307 : i32
    %dma_wait3A_309 = arith.constant 0 : i32
    %dma_wait3A_310 = arith.constant 0 : i32
    %dma_wait3A_311 = arith.constant 0 : i32
    %dma_wait3A_312 = arith.constant 0 : i32
    %dma_wait3A_313 = tpu.memref_slice %arg4[%dma_wait3A_309, %dma_wait3A_311, %dma_wait3A_312] : memref<7x16x1024xf32, #tpu.memory_space<vmem>> -> memref<1x16x1024xf32, #tpu.memory_space<vmem>>
    %dma_wait3A_314 = tpu.memref_squeeze %dma_wait3A_313 : memref<1x16x1024xf32, #tpu.memory_space<vmem>> -> memref<16x1024xf32, #tpu.memory_space<vmem>>
    %dma_wait3A_315 = arith.constant 0 : i32
    %dma_wait3A_316 = tpu.memref_slice %arg3[%add3A_308, %dma_wait3A_315] : memref<8192x1024xf32, #tpu.memory_space<hbm>> -> memref<16x1024xf32, #tpu.memory_space<hbm>>
    %dma_wait3A_317 = tpu.memref_slice %arg6[%dma_wait3A_310] : memref<7x!tpu.dma_semaphore, #tpu.memory_space<semaphore_mem>> -> memref<1x!tpu.dma_semaphore, #tpu.memory_space<semaphore_mem>>
    %dma_wait3A_318 = tpu.memref_squeeze %dma_wait3A_317 : memref<1x!tpu.dma_semaphore, #tpu.memory_space<semaphore_mem>> -> memref<!tpu.dma_semaphore, #tpu.memory_space<semaphore_mem>>
    %dma_wait3A_319 = arith.constant 0 : i32
    %dma_wait3A_320 = tpu.memref_slice %arg3[%add3A_308, %dma_wait3A_319] : memref<8192x1024xf32, #tpu.memory_space<hbm>> -> memref<16x1024xf32, #tpu.memory_space<hbm>>
    %dma_wait3A_321 = arith.constant 0 : i32
    %dma_wait3A_322 = arith.constant 0 : i32
    %dma_wait3A_323 = tpu.memref_slice %arg4[%dma_wait3A_309, %dma_wait3A_321, %dma_wait3A_322] : memref<7x16x1024xf32, #tpu.memory_space<vmem>> -> memref<1x16x1024xf32, #tpu.memory_space<vmem>>
    %dma_wait3A_324 = tpu.memref_squeeze %dma_wait3A_323 : memref<1x16x1024xf32, #tpu.memory_space<vmem>> -> memref<16x1024xf32, #tpu.memory_space<vmem>>
    tpu.wait_dma2 semaphore(%dma_wait3A_318 : memref<!tpu.dma_semaphore, #tpu.memory_space<semaphore_mem>>) src(%dma_wait3A_324 : memref<16x1024xf32, #tpu.memory_space<vmem>>) dst(%dma_wait3A_320 : memref<16x1024xf32, #tpu.memory_space<hbm>>)
    %add3A_325 = arith.constant 112 : i32
    %add3A_326 = arith.addi %mul3A_2, %add3A_325 : i32
    %dma_start3A_327 = arith.constant 0 : i32
    %dma_start3A_328 = arith.constant 0 : i32
    %dma_start3A_329 = arith.constant 0 : i32
    %dma_start3A_330 = arith.constant 0 : i32
    %dma_start3A_331 = tpu.memref_slice %arg4[%dma_start3A_327, %dma_start3A_329, %dma_start3A_330] : memref<7x16x1024xf32, #tpu.memory_space<vmem>> -> memref<1x16x1024xf32, #tpu.memory_space<vmem>>
    %dma_start3A_332 = tpu.memref_squeeze %dma_start3A_331 : memref<1x16x1024xf32, #tpu.memory_space<vmem>> -> memref<16x1024xf32, #tpu.memory_space<vmem>>
    %dma_start3A_333 = arith.constant 0 : i32
    %dma_start3A_334 = tpu.memref_slice %arg2[%add3A_326, %dma_start3A_333] : memref<8192x1024xf32, #tpu.memory_space<hbm>> -> memref<16x1024xf32, #tpu.memory_space<hbm>>
    %dma_start3A_335 = tpu.memref_slice %arg5[%dma_start3A_328] : memref<7x!tpu.dma_semaphore, #tpu.memory_space<semaphore_mem>> -> memref<1x!tpu.dma_semaphore, #tpu.memory_space<semaphore_mem>>
    %dma_start3A_336 = tpu.memref_squeeze %dma_start3A_335 : memref<1x!tpu.dma_semaphore, #tpu.memory_space<semaphore_mem>> -> memref<!tpu.dma_semaphore, #tpu.memory_space<semaphore_mem>>
    %dma_start3A_337 = arith.constant 0 : i32
    %dma_start3A_338 = arith.constant 0 : i32
    %dma_start3A_339 = tpu.memref_slice %arg4[%dma_start3A_327, %dma_start3A_337, %dma_start3A_338] : memref<7x16x1024xf32, #tpu.memory_space<vmem>> -> memref<1x16x1024xf32, #tpu.memory_space<vmem>>
    %dma_start3A_340 = tpu.memref_squeeze %dma_start3A_339 : memref<1x16x1024xf32, #tpu.memory_space<vmem>> -> memref<16x1024xf32, #tpu.memory_space<vmem>>
    %dma_start3A_341 = arith.constant 0 : i32
    %dma_start3A_342 = tpu.memref_slice %arg2[%add3A_326, %dma_start3A_341] : memref<8192x1024xf32, #tpu.memory_space<hbm>> -> memref<16x1024xf32, #tpu.memory_space<hbm>>
    tpu.enqueue_dma source(%dma_start3A_342 : memref<16x1024xf32, #tpu.memory_space<hbm>>) target(%dma_start3A_340 : memref<16x1024xf32, #tpu.memory_space<vmem>>) target_semaphore(%dma_start3A_336 : memref<!tpu.dma_semaphore, #tpu.memory_space<semaphore_mem>>)
    %add3A_343 = arith.constant 80 : i32
    %add3A_344 = arith.addi %mul3A_2, %add3A_343 : i32
    %dma_wait3A_345 = arith.constant 5 : i32
    %dma_wait3A_346 = arith.constant 5 : i32
    %dma_wait3A_347 = arith.constant 0 : i32
    %dma_wait3A_348 = arith.constant 0 : i32
    %dma_wait3A_349 = tpu.memref_slice %arg4[%dma_wait3A_345, %dma_wait3A_347, %dma_wait3A_348] : memref<7x16x1024xf32, #tpu.memory_space<vmem>> -> memref<1x16x1024xf32, #tpu.memory_space<vmem>>
    %dma_wait3A_350 = tpu.memref_squeeze %dma_wait3A_349 : memref<1x16x1024xf32, #tpu.memory_space<vmem>> -> memref<16x1024xf32, #tpu.memory_space<vmem>>
    %dma_wait3A_351 = arith.constant 0 : i32
    %dma_wait3A_352 = tpu.memref_slice %arg2[%add3A_344, %dma_wait3A_351] : memref<8192x1024xf32, #tpu.memory_space<hbm>> -> memref<16x1024xf32, #tpu.memory_space<hbm>>
    %dma_wait3A_353 = tpu.memref_slice %arg5[%dma_wait3A_346] : memref<7x!tpu.dma_semaphore, #tpu.memory_space<semaphore_mem>> -> memref<1x!tpu.dma_semaphore, #tpu.memory_space<semaphore_mem>>
    %dma_wait3A_354 = tpu.memref_squeeze %dma_wait3A_353 : memref<1x!tpu.dma_semaphore, #tpu.memory_space<semaphore_mem>> -> memref<!tpu.dma_semaphore, #tpu.memory_space<semaphore_mem>>
    %dma_wait3A_355 = arith.constant 0 : i32
    %dma_wait3A_356 = arith.constant 0 : i32
    %dma_wait3A_357 = tpu.memref_slice %arg4[%dma_wait3A_345, %dma_wait3A_355, %dma_wait3A_356] : memref<7x16x1024xf32, #tpu.memory_space<vmem>> -> memref<1x16x1024xf32, #tpu.memory_space<vmem>>
    %dma_wait3A_358 = tpu.memref_squeeze %dma_wait3A_357 : memref<1x16x1024xf32, #tpu.memory_space<vmem>> -> memref<16x1024xf32, #tpu.memory_space<vmem>>
    %dma_wait3A_359 = arith.constant 0 : i32
    %dma_wait3A_360 = tpu.memref_slice %arg2[%add3A_344, %dma_wait3A_359] : memref<8192x1024xf32, #tpu.memory_space<hbm>> -> memref<16x1024xf32, #tpu.memory_space<hbm>>
    tpu.wait_dma2 semaphore(%dma_wait3A_354 : memref<!tpu.dma_semaphore, #tpu.memory_space<semaphore_mem>>) src(%dma_wait3A_360 : memref<16x1024xf32, #tpu.memory_space<hbm>>) dst(%dma_wait3A_358 : memref<16x1024xf32, #tpu.memory_space<vmem>>)
    %add3A_361 = arith.constant 80 : i32
    %add3A_362 = arith.addi %mul3A_2, %add3A_361 : i32
    %dma_start3A_363 = arith.constant 5 : i32
    %dma_start3A_364 = arith.constant 5 : i32
    %dma_start3A_365 = arith.constant 0 : i32
    %dma_start3A_366 = arith.constant 0 : i32
    %dma_start3A_367 = tpu.memref_slice %arg4[%dma_start3A_363, %dma_start3A_365, %dma_start3A_366] : memref<7x16x1024xf32, #tpu.memory_space<vmem>> -> memref<1x16x1024xf32, #tpu.memory_space<vmem>>
    %dma_start3A_368 = tpu.memref_squeeze %dma_start3A_367 : memref<1x16x1024xf32, #tpu.memory_space<vmem>> -> memref<16x1024xf32, #tpu.memory_space<vmem>>
    %dma_start3A_369 = arith.constant 0 : i32
    %dma_start3A_370 = tpu.memref_slice %arg3[%add3A_362, %dma_start3A_369] : memref<8192x1024xf32, #tpu.memory_space<hbm>> -> memref<16x1024xf32, #tpu.memory_space<hbm>>
    %dma_start3A_371 = tpu.memref_slice %arg6[%dma_start3A_364] : memref<7x!tpu.dma_semaphore, #tpu.memory_space<semaphore_mem>> -> memref<1x!tpu.dma_semaphore, #tpu.memory_space<semaphore_mem>>
    %dma_start3A_372 = tpu.memref_squeeze %dma_start3A_371 : memref<1x!tpu.dma_semaphore, #tpu.memory_space<semaphore_mem>> -> memref<!tpu.dma_semaphore, #tpu.memory_space<semaphore_mem>>
    %dma_start3A_373 = arith.constant 0 : i32
    %dma_start3A_374 = tpu.memref_slice %arg3[%add3A_362, %dma_start3A_373] : memref<8192x1024xf32, #tpu.memory_space<hbm>> -> memref<16x1024xf32, #tpu.memory_space<hbm>>
    %dma_start3A_375 = arith.constant 0 : i32
    %dma_start3A_376 = arith.constant 0 : i32
    %dma_start3A_377 = tpu.memref_slice %arg4[%dma_start3A_363, %dma_start3A_375, %dma_start3A_376] : memref<7x16x1024xf32, #tpu.memory_space<vmem>> -> memref<1x16x1024xf32, #tpu.memory_space<vmem>>
    %dma_start3A_378 = tpu.memref_squeeze %dma_start3A_377 : memref<1x16x1024xf32, #tpu.memory_space<vmem>> -> memref<16x1024xf32, #tpu.memory_space<vmem>>
    tpu.enqueue_dma source(%dma_start3A_378 : memref<16x1024xf32, #tpu.memory_space<vmem>>) target(%dma_start3A_374 : memref<16x1024xf32, #tpu.memory_space<hbm>>) target_semaphore(%dma_start3A_372 : memref<!tpu.dma_semaphore, #tpu.memory_space<semaphore_mem>>)
    %add3A_379 = arith.constant 16 : i32
    %add3A_380 = arith.addi %mul3A_2, %add3A_379 : i32
    %dma_wait3A_381 = arith.constant 1 : i32
    %dma_wait3A_382 = arith.constant 1 : i32
    %dma_wait3A_383 = arith.constant 0 : i32
    %dma_wait3A_384 = arith.constant 0 : i32
    %dma_wait3A_385 = tpu.memref_slice %arg4[%dma_wait3A_381, %dma_wait3A_383, %dma_wait3A_384] : memref<7x16x1024xf32, #tpu.memory_space<vmem>> -> memref<1x16x1024xf32, #tpu.memory_space<vmem>>
    %dma_wait3A_386 = tpu.memref_squeeze %dma_wait3A_385 : memref<1x16x1024xf32, #tpu.memory_space<vmem>> -> memref<16x1024xf32, #tpu.memory_space<vmem>>
    %dma_wait3A_387 = arith.constant 0 : i32
    %dma_wait3A_388 = tpu.memref_slice %arg3[%add3A_380, %dma_wait3A_387] : memref<8192x1024xf32, #tpu.memory_space<hbm>> -> memref<16x1024xf32, #tpu.memory_space<hbm>>
    %dma_wait3A_389 = tpu.memref_slice %arg6[%dma_wait3A_382] : memref<7x!tpu.dma_semaphore, #tpu.memory_space<semaphore_mem>> -> memref<1x!tpu.dma_semaphore, #tpu.memory_space<semaphore_mem>>
    %dma_wait3A_390 = tpu.memref_squeeze %dma_wait3A_389 : memref<1x!tpu.dma_semaphore, #tpu.memory_space<semaphore_mem>> -> memref<!tpu.dma_semaphore, #tpu.memory_space<semaphore_mem>>
    %dma_wait3A_391 = arith.constant 0 : i32
    %dma_wait3A_392 = tpu.memref_slice %arg3[%add3A_380, %dma_wait3A_391] : memref<8192x1024xf32, #tpu.memory_space<hbm>> -> memref<16x1024xf32, #tpu.memory_space<hbm>>
    %dma_wait3A_393 = arith.constant 0 : i32
    %dma_wait3A_394 = arith.constant 0 : i32
    %dma_wait3A_395 = tpu.memref_slice %arg4[%dma_wait3A_381, %dma_wait3A_393, %dma_wait3A_394] : memref<7x16x1024xf32, #tpu.memory_space<vmem>> -> memref<1x16x1024xf32, #tpu.memory_space<vmem>>
    %dma_wait3A_396 = tpu.memref_squeeze %dma_wait3A_395 : memref<1x16x1024xf32, #tpu.memory_space<vmem>> -> memref<16x1024xf32, #tpu.memory_space<vmem>>
    tpu.wait_dma2 semaphore(%dma_wait3A_390 : memref<!tpu.dma_semaphore, #tpu.memory_space<semaphore_mem>>) src(%dma_wait3A_396 : memref<16x1024xf32, #tpu.memory_space<vmem>>) dst(%dma_wait3A_392 : memref<16x1024xf32, #tpu.memory_space<hbm>>)
    %add3A_397 = arith.constant 128 : i32
    %add3A_398 = arith.addi %mul3A_2, %add3A_397 : i32
    %dma_start3A_399 = arith.constant 1 : i32
    %dma_start3A_400 = arith.constant 1 : i32
    %dma_start3A_401 = arith.constant 0 : i32
    %dma_start3A_402 = arith.constant 0 : i32
    %dma_start3A_403 = tpu.memref_slice %arg4[%dma_start3A_399, %dma_start3A_401, %dma_start3A_402] : memref<7x16x1024xf32, #tpu.memory_space<vmem>> -> memref<1x16x1024xf32, #tpu.memory_space<vmem>>
    %dma_start3A_404 = tpu.memref_squeeze %dma_start3A_403 : memref<1x16x1024xf32, #tpu.memory_space<vmem>> -> memref<16x1024xf32, #tpu.memory_space<vmem>>
    %dma_start3A_405 = arith.constant 0 : i32
    %dma_start3A_406 = tpu.memref_slice %arg2[%add3A_398, %dma_start3A_405] : memref<8192x1024xf32, #tpu.memory_space<hbm>> -> memref<16x1024xf32, #tpu.memory_space<hbm>>
    %dma_start3A_407 = tpu.memref_slice %arg5[%dma_start3A_400] : memref<7x!tpu.dma_semaphore, #tpu.memory_space<semaphore_mem>> -> memref<1x!tpu.dma_semaphore, #tpu.memory_space<semaphore_mem>>
    %dma_start3A_408 = tpu.memref_squeeze %dma_start3A_407 : memref<1x!tpu.dma_semaphore, #tpu.memory_space<semaphore_mem>> -> memref<!tpu.dma_semaphore, #tpu.memory_space<semaphore_mem>>
    %dma_start3A_409 = arith.constant 0 : i32
    %dma_start3A_410 = arith.constant 0 : i32
    %dma_start3A_411 = tpu.memref_slice %arg4[%dma_start3A_399, %dma_start3A_409, %dma_start3A_410] : memref<7x16x1024xf32, #tpu.memory_space<vmem>> -> memref<1x16x1024xf32, #tpu.memory_space<vmem>>
    %dma_start3A_412 = tpu.memref_squeeze %dma_start3A_411 : memref<1x16x1024xf32, #tpu.memory_space<vmem>> -> memref<16x1024xf32, #tpu.memory_space<vmem>>
    %dma_start3A_413 = arith.constant 0 : i32
    %dma_start3A_414 = tpu.memref_slice %arg2[%add3A_398, %dma_start3A_413] : memref<8192x1024xf32, #tpu.memory_space<hbm>> -> memref<16x1024xf32, #tpu.memory_space<hbm>>
    tpu.enqueue_dma source(%dma_start3A_414 : memref<16x1024xf32, #tpu.memory_space<hbm>>) target(%dma_start3A_412 : memref<16x1024xf32, #tpu.memory_space<vmem>>) target_semaphore(%dma_start3A_408 : memref<!tpu.dma_semaphore, #tpu.memory_space<semaphore_mem>>)
    %add3A_415 = arith.constant 96 : i32
    %add3A_416 = arith.addi %mul3A_2, %add3A_415 : i32
    %dma_wait3A_417 = arith.constant 6 : i32
    %dma_wait3A_418 = arith.constant 6 : i32
    %dma_wait3A_419 = arith.constant 0 : i32
    %dma_wait3A_420 = arith.constant 0 : i32
    %dma_wait3A_421 = tpu.memref_slice %arg4[%dma_wait3A_417, %dma_wait3A_419, %dma_wait3A_420] : memref<7x16x1024xf32, #tpu.memory_space<vmem>> -> memref<1x16x1024xf32, #tpu.memory_space<vmem>>
    %dma_wait3A_422 = tpu.memref_squeeze %dma_wait3A_421 : memref<1x16x1024xf32, #tpu.memory_space<vmem>> -> memref<16x1024xf32, #tpu.memory_space<vmem>>
    %dma_wait3A_423 = arith.constant 0 : i32
    %dma_wait3A_424 = tpu.memref_slice %arg2[%add3A_416, %dma_wait3A_423] : memref<8192x1024xf32, #tpu.memory_space<hbm>> -> memref<16x1024xf32, #tpu.memory_space<hbm>>
    %dma_wait3A_425 = tpu.memref_slice %arg5[%dma_wait3A_418] : memref<7x!tpu.dma_semaphore, #tpu.memory_space<semaphore_mem>> -> memref<1x!tpu.dma_semaphore, #tpu.memory_space<semaphore_mem>>
    %dma_wait3A_426 = tpu.memref_squeeze %dma_wait3A_425 : memref<1x!tpu.dma_semaphore, #tpu.memory_space<semaphore_mem>> -> memref<!tpu.dma_semaphore, #tpu.memory_space<semaphore_mem>>
    %dma_wait3A_427 = arith.constant 0 : i32
    %dma_wait3A_428 = arith.constant 0 : i32
    %dma_wait3A_429 = tpu.memref_slice %arg4[%dma_wait3A_417, %dma_wait3A_427, %dma_wait3A_428] : memref<7x16x1024xf32, #tpu.memory_space<vmem>> -> memref<1x16x1024xf32, #tpu.memory_space<vmem>>
    %dma_wait3A_430 = tpu.memref_squeeze %dma_wait3A_429 : memref<1x16x1024xf32, #tpu.memory_space<vmem>> -> memref<16x1024xf32, #tpu.memory_space<vmem>>
    %dma_wait3A_431 = arith.constant 0 : i32
    %dma_wait3A_432 = tpu.memref_slice %arg2[%add3A_416, %dma_wait3A_431] : memref<8192x1024xf32, #tpu.memory_space<hbm>> -> memref<16x1024xf32, #tpu.memory_space<hbm>>
    tpu.wait_dma2 semaphore(%dma_wait3A_426 : memref<!tpu.dma_semaphore, #tpu.memory_space<semaphore_mem>>) src(%dma_wait3A_432 : memref<16x1024xf32, #tpu.memory_space<hbm>>) dst(%dma_wait3A_430 : memref<16x1024xf32, #tpu.memory_space<vmem>>)
    %add3A_433 = arith.constant 96 : i32
    %add3A_434 = arith.addi %mul3A_2, %add3A_433 : i32
    %dma_start3A_435 = arith.constant 6 : i32
    %dma_start3A_436 = arith.constant 6 : i32
    %dma_start3A_437 = arith.constant 0 : i32
    %dma_start3A_438 = arith.constant 0 : i32
    %dma_start3A_439 = tpu.memref_slice %arg4[%dma_start3A_435, %dma_start3A_437, %dma_start3A_438] : memref<7x16x1024xf32, #tpu.memory_space<vmem>> -> memref<1x16x1024xf32, #tpu.memory_space<vmem>>
    %dma_start3A_440 = tpu.memref_squeeze %dma_start3A_439 : memref<1x16x1024xf32, #tpu.memory_space<vmem>> -> memref<16x1024xf32, #tpu.memory_space<vmem>>
    %dma_start3A_441 = arith.constant 0 : i32
    %dma_start3A_442 = tpu.memref_slice %arg3[%add3A_434, %dma_start3A_441] : memref<8192x1024xf32, #tpu.memory_space<hbm>> -> memref<16x1024xf32, #tpu.memory_space<hbm>>
    %dma_start3A_443 = tpu.memref_slice %arg6[%dma_start3A_436] : memref<7x!tpu.dma_semaphore, #tpu.memory_space<semaphore_mem>> -> memref<1x!tpu.dma_semaphore, #tpu.memory_space<semaphore_mem>>
    %dma_start3A_444 = tpu.memref_squeeze %dma_start3A_443 : memref<1x!tpu.dma_semaphore, #tpu.memory_space<semaphore_mem>> -> memref<!tpu.dma_semaphore, #tpu.memory_space<semaphore_mem>>
    %dma_start3A_445 = arith.constant 0 : i32
    %dma_start3A_446 = tpu.memref_slice %arg3[%add3A_434, %dma_start3A_445] : memref<8192x1024xf32, #tpu.memory_space<hbm>> -> memref<16x1024xf32, #tpu.memory_space<hbm>>
    %dma_start3A_447 = arith.constant 0 : i32
    %dma_start3A_448 = arith.constant 0 : i32
    %dma_start3A_449 = tpu.memref_slice %arg4[%dma_start3A_435, %dma_start3A_447, %dma_start3A_448] : memref<7x16x1024xf32, #tpu.memory_space<vmem>> -> memref<1x16x1024xf32, #tpu.memory_space<vmem>>
    %dma_start3A_450 = tpu.memref_squeeze %dma_start3A_449 : memref<1x16x1024xf32, #tpu.memory_space<vmem>> -> memref<16x1024xf32, #tpu.memory_space<vmem>>
    tpu.enqueue_dma source(%dma_start3A_450 : memref<16x1024xf32, #tpu.memory_space<vmem>>) target(%dma_start3A_446 : memref<16x1024xf32, #tpu.memory_space<hbm>>) target_semaphore(%dma_start3A_444 : memref<!tpu.dma_semaphore, #tpu.memory_space<semaphore_mem>>)
    %add3A_451 = arith.constant 32 : i32
    %add3A_452 = arith.addi %mul3A_2, %add3A_451 : i32
    %dma_wait3A_453 = arith.constant 2 : i32
    %dma_wait3A_454 = arith.constant 2 : i32
    %dma_wait3A_455 = arith.constant 0 : i32
    %dma_wait3A_456 = arith.constant 0 : i32
    %dma_wait3A_457 = tpu.memref_slice %arg4[%dma_wait3A_453, %dma_wait3A_455, %dma_wait3A_456] : memref<7x16x1024xf32, #tpu.memory_space<vmem>> -> memref<1x16x1024xf32, #tpu.memory_space<vmem>>
    %dma_wait3A_458 = tpu.memref_squeeze %dma_wait3A_457 : memref<1x16x1024xf32, #tpu.memory_space<vmem>> -> memref<16x1024xf32, #tpu.memory_space<vmem>>
    %dma_wait3A_459 = arith.constant 0 : i32
    %dma_wait3A_460 = tpu.memref_slice %arg3[%add3A_452, %dma_wait3A_459] : memref<8192x1024xf32, #tpu.memory_space<hbm>> -> memref<16x1024xf32, #tpu.memory_space<hbm>>
    %dma_wait3A_461 = tpu.memref_slice %arg6[%dma_wait3A_454] : memref<7x!tpu.dma_semaphore, #tpu.memory_space<semaphore_mem>> -> memref<1x!tpu.dma_semaphore, #tpu.memory_space<semaphore_mem>>
    %dma_wait3A_462 = tpu.memref_squeeze %dma_wait3A_461 : memref<1x!tpu.dma_semaphore, #tpu.memory_space<semaphore_mem>> -> memref<!tpu.dma_semaphore, #tpu.memory_space<semaphore_mem>>
    %dma_wait3A_463 = arith.constant 0 : i32
    %dma_wait3A_464 = tpu.memref_slice %arg3[%add3A_452, %dma_wait3A_463] : memref<8192x1024xf32, #tpu.memory_space<hbm>> -> memref<16x1024xf32, #tpu.memory_space<hbm>>
    %dma_wait3A_465 = arith.constant 0 : i32
    %dma_wait3A_466 = arith.constant 0 : i32
    %dma_wait3A_467 = tpu.memref_slice %arg4[%dma_wait3A_453, %dma_wait3A_465, %dma_wait3A_466] : memref<7x16x1024xf32, #tpu.memory_space<vmem>> -> memref<1x16x1024xf32, #tpu.memory_space<vmem>>
    %dma_wait3A_468 = tpu.memref_squeeze %dma_wait3A_467 : memref<1x16x1024xf32, #tpu.memory_space<vmem>> -> memref<16x1024xf32, #tpu.memory_space<vmem>>
    tpu.wait_dma2 semaphore(%dma_wait3A_462 : memref<!tpu.dma_semaphore, #tpu.memory_space<semaphore_mem>>) src(%dma_wait3A_468 : memref<16x1024xf32, #tpu.memory_space<vmem>>) dst(%dma_wait3A_464 : memref<16x1024xf32, #tpu.memory_space<hbm>>)
    %add3A_469 = arith.constant 144 : i32
    %add3A_470 = arith.addi %mul3A_2, %add3A_469 : i32
    %dma_start3A_471 = arith.constant 2 : i32
    %dma_start3A_472 = arith.constant 2 : i32
    %dma_start3A_473 = arith.constant 0 : i32
    %dma_start3A_474 = arith.constant 0 : i32
    %dma_start3A_475 = tpu.memref_slice %arg4[%dma_start3A_471, %dma_start3A_473, %dma_start3A_474] : memref<7x16x1024xf32, #tpu.memory_space<vmem>> -> memref<1x16x1024xf32, #tpu.memory_space<vmem>>
    %dma_start3A_476 = tpu.memref_squeeze %dma_start3A_475 : memref<1x16x1024xf32, #tpu.memory_space<vmem>> -> memref<16x1024xf32, #tpu.memory_space<vmem>>
    %dma_start3A_477 = arith.constant 0 : i32
    %dma_start3A_478 = tpu.memref_slice %arg2[%add3A_470, %dma_start3A_477] : memref<8192x1024xf32, #tpu.memory_space<hbm>> -> memref<16x1024xf32, #tpu.memory_space<hbm>>
    %dma_start3A_479 = tpu.memref_slice %arg5[%dma_start3A_472] : memref<7x!tpu.dma_semaphore, #tpu.memory_space<semaphore_mem>> -> memref<1x!tpu.dma_semaphore, #tpu.memory_space<semaphore_mem>>
    %dma_start3A_480 = tpu.memref_squeeze %dma_start3A_479 : memref<1x!tpu.dma_semaphore, #tpu.memory_space<semaphore_mem>> -> memref<!tpu.dma_semaphore, #tpu.memory_space<semaphore_mem>>
    %dma_start3A_481 = arith.constant 0 : i32
    %dma_start3A_482 = arith.constant 0 : i32
    %dma_start3A_483 = tpu.memref_slice %arg4[%dma_start3A_471, %dma_start3A_481, %dma_start3A_482] : memref<7x16x1024xf32, #tpu.memory_space<vmem>> -> memref<1x16x1024xf32, #tpu.memory_space<vmem>>
    %dma_start3A_484 = tpu.memref_squeeze %dma_start3A_483 : memref<1x16x1024xf32, #tpu.memory_space<vmem>> -> memref<16x1024xf32, #tpu.memory_space<vmem>>
    %dma_start3A_485 = arith.constant 0 : i32
    %dma_start3A_486 = tpu.memref_slice %arg2[%add3A_470, %dma_start3A_485] : memref<8192x1024xf32, #tpu.memory_space<hbm>> -> memref<16x1024xf32, #tpu.memory_space<hbm>>
    tpu.enqueue_dma source(%dma_start3A_486 : memref<16x1024xf32, #tpu.memory_space<hbm>>) target(%dma_start3A_484 : memref<16x1024xf32, #tpu.memory_space<vmem>>) target_semaphore(%dma_start3A_480 : memref<!tpu.dma_semaphore, #tpu.memory_space<semaphore_mem>>)
    %add3A_487 = arith.constant 112 : i32
    %add3A_488 = arith.addi %mul3A_2, %add3A_487 : i32
    %dma_wait3A_489 = arith.constant 0 : i32
    %dma_wait3A_490 = arith.constant 0 : i32
    %dma_wait3A_491 = arith.constant 0 : i32
    %dma_wait3A_492 = arith.constant 0 : i32
    %dma_wait3A_493 = tpu.memref_slice %arg4[%dma_wait3A_489, %dma_wait3A_491, %dma_wait3A_492] : memref<7x16x1024xf32, #tpu.memory_space<vmem>> -> memref<1x16x1024xf32, #tpu.memory_space<vmem>>
    %dma_wait3A_494 = tpu.memref_squeeze %dma_wait3A_493 : memref<1x16x1024xf32, #tpu.memory_space<vmem>> -> memref<16x1024xf32, #tpu.memory_space<vmem>>
    %dma_wait3A_495 = arith.constant 0 : i32
    %dma_wait3A_496 = tpu.memref_slice %arg2[%add3A_488, %dma_wait3A_495] : memref<8192x1024xf32, #tpu.memory_space<hbm>> -> memref<16x1024xf32, #tpu.memory_space<hbm>>
    %dma_wait3A_497 = tpu.memref_slice %arg5[%dma_wait3A_490] : memref<7x!tpu.dma_semaphore, #tpu.memory_space<semaphore_mem>> -> memref<1x!tpu.dma_semaphore, #tpu.memory_space<semaphore_mem>>
    %dma_wait3A_498 = tpu.memref_squeeze %dma_wait3A_497 : memref<1x!tpu.dma_semaphore, #tpu.memory_space<semaphore_mem>> -> memref<!tpu.dma_semaphore, #tpu.memory_space<semaphore_mem>>
    %dma_wait3A_499 = arith.constant 0 : i32
    %dma_wait3A_500 = arith.constant 0 : i32
    %dma_wait3A_501 = tpu.memref_slice %arg4[%dma_wait3A_489, %dma_wait3A_499, %dma_wait3A_500] : memref<7x16x1024xf32, #tpu.memory_space<vmem>> -> memref<1x16x1024xf32, #tpu.memory_space<vmem>>
    %dma_wait3A_502 = tpu.memref_squeeze %dma_wait3A_501 : memref<1x16x1024xf32, #tpu.memory_space<vmem>> -> memref<16x1024xf32, #tpu.memory_space<vmem>>
    %dma_wait3A_503 = arith.constant 0 : i32
    %dma_wait3A_504 = tpu.memref_slice %arg2[%add3A_488, %dma_wait3A_503] : memref<8192x1024xf32, #tpu.memory_space<hbm>> -> memref<16x1024xf32, #tpu.memory_space<hbm>>
    tpu.wait_dma2 semaphore(%dma_wait3A_498 : memref<!tpu.dma_semaphore, #tpu.memory_space<semaphore_mem>>) src(%dma_wait3A_504 : memref<16x1024xf32, #tpu.memory_space<hbm>>) dst(%dma_wait3A_502 : memref<16x1024xf32, #tpu.memory_space<vmem>>)
    %add3A_505 = arith.constant 112 : i32
    %add3A_506 = arith.addi %mul3A_2, %add3A_505 : i32
    %dma_start3A_507 = arith.constant 0 : i32
    %dma_start3A_508 = arith.constant 0 : i32
    %dma_start3A_509 = arith.constant 0 : i32
    %dma_start3A_510 = arith.constant 0 : i32
    %dma_start3A_511 = tpu.memref_slice %arg4[%dma_start3A_507, %dma_start3A_509, %dma_start3A_510] : memref<7x16x1024xf32, #tpu.memory_space<vmem>> -> memref<1x16x1024xf32, #tpu.memory_space<vmem>>
    %dma_start3A_512 = tpu.memref_squeeze %dma_start3A_511 : memref<1x16x1024xf32, #tpu.memory_space<vmem>> -> memref<16x1024xf32, #tpu.memory_space<vmem>>
    %dma_start3A_513 = arith.constant 0 : i32
    %dma_start3A_514 = tpu.memref_slice %arg3[%add3A_506, %dma_start3A_513] : memref<8192x1024xf32, #tpu.memory_space<hbm>> -> memref<16x1024xf32, #tpu.memory_space<hbm>>
    %dma_start3A_515 = tpu.memref_slice %arg6[%dma_start3A_508] : memref<7x!tpu.dma_semaphore, #tpu.memory_space<semaphore_mem>> -> memref<1x!tpu.dma_semaphore, #tpu.memory_space<semaphore_mem>>
    %dma_start3A_516 = tpu.memref_squeeze %dma_start3A_515 : memref<1x!tpu.dma_semaphore, #tpu.memory_space<semaphore_mem>> -> memref<!tpu.dma_semaphore, #tpu.memory_space<semaphore_mem>>
    %dma_start3A_517 = arith.constant 0 : i32
    %dma_start3A_518 = tpu.memref_slice %arg3[%add3A_506, %dma_start3A_517] : memref<8192x1024xf32, #tpu.memory_space<hbm>> -> memref<16x1024xf32, #tpu.memory_space<hbm>>
    %dma_start3A_519 = arith.constant 0 : i32
    %dma_start3A_520 = arith.constant 0 : i32
    %dma_start3A_521 = tpu.memref_slice %arg4[%dma_start3A_507, %dma_start3A_519, %dma_start3A_520] : memref<7x16x1024xf32, #tpu.memory_space<vmem>> -> memref<1x16x1024xf32, #tpu.memory_space<vmem>>
    %dma_start3A_522 = tpu.memref_squeeze %dma_start3A_521 : memref<1x16x1024xf32, #tpu.memory_space<vmem>> -> memref<16x1024xf32, #tpu.memory_space<vmem>>
    tpu.enqueue_dma source(%dma_start3A_522 : memref<16x1024xf32, #tpu.memory_space<vmem>>) target(%dma_start3A_518 : memref<16x1024xf32, #tpu.memory_space<hbm>>) target_semaphore(%dma_start3A_516 : memref<!tpu.dma_semaphore, #tpu.memory_space<semaphore_mem>>)
    %add3A_523 = arith.constant 48 : i32
    %add3A_524 = arith.addi %mul3A_2, %add3A_523 : i32
    %dma_wait3A_525 = arith.constant 3 : i32
    %dma_wait3A_526 = arith.constant 3 : i32
    %dma_wait3A_527 = arith.constant 0 : i32
    %dma_wait3A_528 = arith.constant 0 : i32
    %dma_wait3A_529 = tpu.memref_slice %arg4[%dma_wait3A_525, %dma_wait3A_527, %dma_wait3A_528] : memref<7x16x1024xf32, #tpu.memory_space<vmem>> -> memref<1x16x1024xf32, #tpu.memory_space<vmem>>
    %dma_wait3A_530 = tpu.memref_squeeze %dma_wait3A_529 : memref<1x16x1024xf32, #tpu.memory_space<vmem>> -> memref<16x1024xf32, #tpu.memory_space<vmem>>
    %dma_wait3A_531 = arith.constant 0 : i32
    %dma_wait3A_532 = tpu.memref_slice %arg3[%add3A_524, %dma_wait3A_531] : memref<8192x1024xf32, #tpu.memory_space<hbm>> -> memref<16x1024xf32, #tpu.memory_space<hbm>>
    %dma_wait3A_533 = tpu.memref_slice %arg6[%dma_wait3A_526] : memref<7x!tpu.dma_semaphore, #tpu.memory_space<semaphore_mem>> -> memref<1x!tpu.dma_semaphore, #tpu.memory_space<semaphore_mem>>
    %dma_wait3A_534 = tpu.memref_squeeze %dma_wait3A_533 : memref<1x!tpu.dma_semaphore, #tpu.memory_space<semaphore_mem>> -> memref<!tpu.dma_semaphore, #tpu.memory_space<semaphore_mem>>
    %dma_wait3A_535 = arith.constant 0 : i32
    %dma_wait3A_536 = tpu.memref_slice %arg3[%add3A_524, %dma_wait3A_535] : memref<8192x1024xf32, #tpu.memory_space<hbm>> -> memref<16x1024xf32, #tpu.memory_space<hbm>>
    %dma_wait3A_537 = arith.constant 0 : i32
    %dma_wait3A_538 = arith.constant 0 : i32
    %dma_wait3A_539 = tpu.memref_slice %arg4[%dma_wait3A_525, %dma_wait3A_537, %dma_wait3A_538] : memref<7x16x1024xf32, #tpu.memory_space<vmem>> -> memref<1x16x1024xf32, #tpu.memory_space<vmem>>
    %dma_wait3A_540 = tpu.memref_squeeze %dma_wait3A_539 : memref<1x16x1024xf32, #tpu.memory_space<vmem>> -> memref<16x1024xf32, #tpu.memory_space<vmem>>
    tpu.wait_dma2 semaphore(%dma_wait3A_534 : memref<!tpu.dma_semaphore, #tpu.memory_space<semaphore_mem>>) src(%dma_wait3A_540 : memref<16x1024xf32, #tpu.memory_space<vmem>>) dst(%dma_wait3A_536 : memref<16x1024xf32, #tpu.memory_space<hbm>>)
    %add3A_541 = arith.constant 160 : i32
    %add3A_542 = arith.addi %mul3A_2, %add3A_541 : i32
    %dma_start3A_543 = arith.constant 3 : i32
    %dma_start3A_544 = arith.constant 3 : i32
    %dma_start3A_545 = arith.constant 0 : i32
    %dma_start3A_546 = arith.constant 0 : i32
    %dma_start3A_547 = tpu.memref_slice %arg4[%dma_start3A_543, %dma_start3A_545, %dma_start3A_546] : memref<7x16x1024xf32, #tpu.memory_space<vmem>> -> memref<1x16x1024xf32, #tpu.memory_space<vmem>>
    %dma_start3A_548 = tpu.memref_squeeze %dma_start3A_547 : memref<1x16x1024xf32, #tpu.memory_space<vmem>> -> memref<16x1024xf32, #tpu.memory_space<vmem>>
    %dma_start3A_549 = arith.constant 0 : i32
    %dma_start3A_550 = tpu.memref_slice %arg2[%add3A_542, %dma_start3A_549] : memref<8192x1024xf32, #tpu.memory_space<hbm>> -> memref<16x1024xf32, #tpu.memory_space<hbm>>
    %dma_start3A_551 = tpu.memref_slice %arg5[%dma_start3A_544] : memref<7x!tpu.dma_semaphore, #tpu.memory_space<semaphore_mem>> -> memref<1x!tpu.dma_semaphore, #tpu.memory_space<semaphore_mem>>
    %dma_start3A_552 = tpu.memref_squeeze %dma_start3A_551 : memref<1x!tpu.dma_semaphore, #tpu.memory_space<semaphore_mem>> -> memref<!tpu.dma_semaphore, #tpu.memory_space<semaphore_mem>>
    %dma_start3A_553 = arith.constant 0 : i32
    %dma_start3A_554 = arith.constant 0 : i32
    %dma_start3A_555 = tpu.memref_slice %arg4[%dma_start3A_543, %dma_start3A_553, %dma_start3A_554] : memref<7x16x1024xf32, #tpu.memory_space<vmem>> -> memref<1x16x1024xf32, #tpu.memory_space<vmem>>
    %dma_start3A_556 = tpu.memref_squeeze %dma_start3A_555 : memref<1x16x1024xf32, #tpu.memory_space<vmem>> -> memref<16x1024xf32, #tpu.memory_space<vmem>>
    %dma_start3A_557 = arith.constant 0 : i32
    %dma_start3A_558 = tpu.memref_slice %arg2[%add3A_542, %dma_start3A_557] : memref<8192x1024xf32, #tpu.memory_space<hbm>> -> memref<16x1024xf32, #tpu.memory_space<hbm>>
    tpu.enqueue_dma source(%dma_start3A_558 : memref<16x1024xf32, #tpu.memory_space<hbm>>) target(%dma_start3A_556 : memref<16x1024xf32, #tpu.memory_space<vmem>>) target_semaphore(%dma_start3A_552 : memref<!tpu.dma_semaphore, #tpu.memory_space<semaphore_mem>>)
    %add3A_559 = arith.constant 128 : i32
    %add3A_560 = arith.addi %mul3A_2, %add3A_559 : i32
    %dma_wait3A_561 = arith.constant 1 : i32
    %dma_wait3A_562 = arith.constant 1 : i32
    %dma_wait3A_563 = arith.constant 0 : i32
    %dma_wait3A_564 = arith.constant 0 : i32
    %dma_wait3A_565 = tpu.memref_slice %arg4[%dma_wait3A_561, %dma_wait3A_563, %dma_wait3A_564] : memref<7x16x1024xf32, #tpu.memory_space<vmem>> -> memref<1x16x1024xf32, #tpu.memory_space<vmem>>
    %dma_wait3A_566 = tpu.memref_squeeze %dma_wait3A_565 : memref<1x16x1024xf32, #tpu.memory_space<vmem>> -> memref<16x1024xf32, #tpu.memory_space<vmem>>
    %dma_wait3A_567 = arith.constant 0 : i32
    %dma_wait3A_568 = tpu.memref_slice %arg2[%add3A_560, %dma_wait3A_567] : memref<8192x1024xf32, #tpu.memory_space<hbm>> -> memref<16x1024xf32, #tpu.memory_space<hbm>>
    %dma_wait3A_569 = tpu.memref_slice %arg5[%dma_wait3A_562] : memref<7x!tpu.dma_semaphore, #tpu.memory_space<semaphore_mem>> -> memref<1x!tpu.dma_semaphore, #tpu.memory_space<semaphore_mem>>
    %dma_wait3A_570 = tpu.memref_squeeze %dma_wait3A_569 : memref<1x!tpu.dma_semaphore, #tpu.memory_space<semaphore_mem>> -> memref<!tpu.dma_semaphore, #tpu.memory_space<semaphore_mem>>
    %dma_wait3A_571 = arith.constant 0 : i32
    %dma_wait3A_572 = arith.constant 0 : i32
    %dma_wait3A_573 = tpu.memref_slice %arg4[%dma_wait3A_561, %dma_wait3A_571, %dma_wait3A_572] : memref<7x16x1024xf32, #tpu.memory_space<vmem>> -> memref<1x16x1024xf32, #tpu.memory_space<vmem>>
    %dma_wait3A_574 = tpu.memref_squeeze %dma_wait3A_573 : memref<1x16x1024xf32, #tpu.memory_space<vmem>> -> memref<16x1024xf32, #tpu.memory_space<vmem>>
    %dma_wait3A_575 = arith.constant 0 : i32
    %dma_wait3A_576 = tpu.memref_slice %arg2[%add3A_560, %dma_wait3A_575] : memref<8192x1024xf32, #tpu.memory_space<hbm>> -> memref<16x1024xf32, #tpu.memory_space<hbm>>
    tpu.wait_dma2 semaphore(%dma_wait3A_570 : memref<!tpu.dma_semaphore, #tpu.memory_space<semaphore_mem>>) src(%dma_wait3A_576 : memref<16x1024xf32, #tpu.memory_space<hbm>>) dst(%dma_wait3A_574 : memref<16x1024xf32, #tpu.memory_space<vmem>>)
    %add3A_577 = arith.constant 128 : i32
    %add3A_578 = arith.addi %mul3A_2, %add3A_577 : i32
    %dma_start3A_579 = arith.constant 1 : i32
    %dma_start3A_580 = arith.constant 1 : i32
    %dma_start3A_581 = arith.constant 0 : i32
    %dma_start3A_582 = arith.constant 0 : i32
    %dma_start3A_583 = tpu.memref_slice %arg4[%dma_start3A_579, %dma_start3A_581, %dma_start3A_582] : memref<7x16x1024xf32, #tpu.memory_space<vmem>> -> memref<1x16x1024xf32, #tpu.memory_space<vmem>>
    %dma_start3A_584 = tpu.memref_squeeze %dma_start3A_583 : memref<1x16x1024xf32, #tpu.memory_space<vmem>> -> memref<16x1024xf32, #tpu.memory_space<vmem>>
    %dma_start3A_585 = arith.constant 0 : i32
    %dma_start3A_586 = tpu.memref_slice %arg3[%add3A_578, %dma_start3A_585] : memref<8192x1024xf32, #tpu.memory_space<hbm>> -> memref<16x1024xf32, #tpu.memory_space<hbm>>
    %dma_start3A_587 = tpu.memref_slice %arg6[%dma_start3A_580] : memref<7x!tpu.dma_semaphore, #tpu.memory_space<semaphore_mem>> -> memref<1x!tpu.dma_semaphore, #tpu.memory_space<semaphore_mem>>
    %dma_start3A_588 = tpu.memref_squeeze %dma_start3A_587 : memref<1x!tpu.dma_semaphore, #tpu.memory_space<semaphore_mem>> -> memref<!tpu.dma_semaphore, #tpu.memory_space<semaphore_mem>>
    %dma_start3A_589 = arith.constant 0 : i32
    %dma_start3A_590 = tpu.memref_slice %arg3[%add3A_578, %dma_start3A_589] : memref<8192x1024xf32, #tpu.memory_space<hbm>> -> memref<16x1024xf32, #tpu.memory_space<hbm>>
    %dma_start3A_591 = arith.constant 0 : i32
    %dma_start3A_592 = arith.constant 0 : i32
    %dma_start3A_593 = tpu.memref_slice %arg4[%dma_start3A_579, %dma_start3A_591, %dma_start3A_592] : memref<7x16x1024xf32, #tpu.memory_space<vmem>> -> memref<1x16x1024xf32, #tpu.memory_space<vmem>>
    %dma_start3A_594 = tpu.memref_squeeze %dma_start3A_593 : memref<1x16x1024xf32, #tpu.memory_space<vmem>> -> memref<16x1024xf32, #tpu.memory_space<vmem>>
    tpu.enqueue_dma source(%dma_start3A_594 : memref<16x1024xf32, #tpu.memory_space<vmem>>) target(%dma_start3A_590 : memref<16x1024xf32, #tpu.memory_space<hbm>>) target_semaphore(%dma_start3A_588 : memref<!tpu.dma_semaphore, #tpu.memory_space<semaphore_mem>>)
    %add3A_595 = arith.constant 64 : i32
    %add3A_596 = arith.addi %mul3A_2, %add3A_595 : i32
    %dma_wait3A_597 = arith.constant 4 : i32
    %dma_wait3A_598 = arith.constant 4 : i32
    %dma_wait3A_599 = arith.constant 0 : i32
    %dma_wait3A_600 = arith.constant 0 : i32
    %dma_wait3A_601 = tpu.memref_slice %arg4[%dma_wait3A_597, %dma_wait3A_599, %dma_wait3A_600] : memref<7x16x1024xf32, #tpu.memory_space<vmem>> -> memref<1x16x1024xf32, #tpu.memory_space<vmem>>
    %dma_wait3A_602 = tpu.memref_squeeze %dma_wait3A_601 : memref<1x16x1024xf32, #tpu.memory_space<vmem>> -> memref<16x1024xf32, #tpu.memory_space<vmem>>
    %dma_wait3A_603 = arith.constant 0 : i32
    %dma_wait3A_604 = tpu.memref_slice %arg3[%add3A_596, %dma_wait3A_603] : memref<8192x1024xf32, #tpu.memory_space<hbm>> -> memref<16x1024xf32, #tpu.memory_space<hbm>>
    %dma_wait3A_605 = tpu.memref_slice %arg6[%dma_wait3A_598] : memref<7x!tpu.dma_semaphore, #tpu.memory_space<semaphore_mem>> -> memref<1x!tpu.dma_semaphore, #tpu.memory_space<semaphore_mem>>
    %dma_wait3A_606 = tpu.memref_squeeze %dma_wait3A_605 : memref<1x!tpu.dma_semaphore, #tpu.memory_space<semaphore_mem>> -> memref<!tpu.dma_semaphore, #tpu.memory_space<semaphore_mem>>
    %dma_wait3A_607 = arith.constant 0 : i32
    %dma_wait3A_608 = tpu.memref_slice %arg3[%add3A_596, %dma_wait3A_607] : memref<8192x1024xf32, #tpu.memory_space<hbm>> -> memref<16x1024xf32, #tpu.memory_space<hbm>>
    %dma_wait3A_609 = arith.constant 0 : i32
    %dma_wait3A_610 = arith.constant 0 : i32
    %dma_wait3A_611 = tpu.memref_slice %arg4[%dma_wait3A_597, %dma_wait3A_609, %dma_wait3A_610] : memref<7x16x1024xf32, #tpu.memory_space<vmem>> -> memref<1x16x1024xf32, #tpu.memory_space<vmem>>
    %dma_wait3A_612 = tpu.memref_squeeze %dma_wait3A_611 : memref<1x16x1024xf32, #tpu.memory_space<vmem>> -> memref<16x1024xf32, #tpu.memory_space<vmem>>
    tpu.wait_dma2 semaphore(%dma_wait3A_606 : memref<!tpu.dma_semaphore, #tpu.memory_space<semaphore_mem>>) src(%dma_wait3A_612 : memref<16x1024xf32, #tpu.memory_space<vmem>>) dst(%dma_wait3A_608 : memref<16x1024xf32, #tpu.memory_space<hbm>>)
    %add3A_613 = arith.constant 176 : i32
    %add3A_614 = arith.addi %mul3A_2, %add3A_613 : i32
    %dma_start3A_615 = arith.constant 4 : i32
    %dma_start3A_616 = arith.constant 4 : i32
    %dma_start3A_617 = arith.constant 0 : i32
    %dma_start3A_618 = arith.constant 0 : i32
    %dma_start3A_619 = tpu.memref_slice %arg4[%dma_start3A_615, %dma_start3A_617, %dma_start3A_618] : memref<7x16x1024xf32, #tpu.memory_space<vmem>> -> memref<1x16x1024xf32, #tpu.memory_space<vmem>>
    %dma_start3A_620 = tpu.memref_squeeze %dma_start3A_619 : memref<1x16x1024xf32, #tpu.memory_space<vmem>> -> memref<16x1024xf32, #tpu.memory_space<vmem>>
    %dma_start3A_621 = arith.constant 0 : i32
    %dma_start3A_622 = tpu.memref_slice %arg2[%add3A_614, %dma_start3A_621] : memref<8192x1024xf32, #tpu.memory_space<hbm>> -> memref<16x1024xf32, #tpu.memory_space<hbm>>
    %dma_start3A_623 = tpu.memref_slice %arg5[%dma_start3A_616] : memref<7x!tpu.dma_semaphore, #tpu.memory_space<semaphore_mem>> -> memref<1x!tpu.dma_semaphore, #tpu.memory_space<semaphore_mem>>
    %dma_start3A_624 = tpu.memref_squeeze %dma_start3A_623 : memref<1x!tpu.dma_semaphore, #tpu.memory_space<semaphore_mem>> -> memref<!tpu.dma_semaphore, #tpu.memory_space<semaphore_mem>>
    %dma_start3A_625 = arith.constant 0 : i32
    %dma_start3A_626 = arith.constant 0 : i32
    %dma_start3A_627 = tpu.memref_slice %arg4[%dma_start3A_615, %dma_start3A_625, %dma_start3A_626] : memref<7x16x1024xf32, #tpu.memory_space<vmem>> -> memref<1x16x1024xf32, #tpu.memory_space<vmem>>
    %dma_start3A_628 = tpu.memref_squeeze %dma_start3A_627 : memref<1x16x1024xf32, #tpu.memory_space<vmem>> -> memref<16x1024xf32, #tpu.memory_space<vmem>>
    %dma_start3A_629 = arith.constant 0 : i32
    %dma_start3A_630 = tpu.memref_slice %arg2[%add3A_614, %dma_start3A_629] : memref<8192x1024xf32, #tpu.memory_space<hbm>> -> memref<16x1024xf32, #tpu.memory_space<hbm>>
    tpu.enqueue_dma source(%dma_start3A_630 : memref<16x1024xf32, #tpu.memory_space<hbm>>) target(%dma_start3A_628 : memref<16x1024xf32, #tpu.memory_space<vmem>>) target_semaphore(%dma_start3A_624 : memref<!tpu.dma_semaphore, #tpu.memory_space<semaphore_mem>>)
    %add3A_631 = arith.constant 144 : i32
    %add3A_632 = arith.addi %mul3A_2, %add3A_631 : i32
    %dma_wait3A_633 = arith.constant 2 : i32
    %dma_wait3A_634 = arith.constant 2 : i32
    %dma_wait3A_635 = arith.constant 0 : i32
    %dma_wait3A_636 = arith.constant 0 : i32
    %dma_wait3A_637 = tpu.memref_slice %arg4[%dma_wait3A_633, %dma_wait3A_635, %dma_wait3A_636] : memref<7x16x1024xf32, #tpu.memory_space<vmem>> -> memref<1x16x1024xf32, #tpu.memory_space<vmem>>
    %dma_wait3A_638 = tpu.memref_squeeze %dma_wait3A_637 : memref<1x16x1024xf32, #tpu.memory_space<vmem>> -> memref<16x1024xf32, #tpu.memory_space<vmem>>
    %dma_wait3A_639 = arith.constant 0 : i32
    %dma_wait3A_640 = tpu.memref_slice %arg2[%add3A_632, %dma_wait3A_639] : memref<8192x1024xf32, #tpu.memory_space<hbm>> -> memref<16x1024xf32, #tpu.memory_space<hbm>>
    %dma_wait3A_641 = tpu.memref_slice %arg5[%dma_wait3A_634] : memref<7x!tpu.dma_semaphore, #tpu.memory_space<semaphore_mem>> -> memref<1x!tpu.dma_semaphore, #tpu.memory_space<semaphore_mem>>
    %dma_wait3A_642 = tpu.memref_squeeze %dma_wait3A_641 : memref<1x!tpu.dma_semaphore, #tpu.memory_space<semaphore_mem>> -> memref<!tpu.dma_semaphore, #tpu.memory_space<semaphore_mem>>
    %dma_wait3A_643 = arith.constant 0 : i32
    %dma_wait3A_644 = arith.constant 0 : i32
    %dma_wait3A_645 = tpu.memref_slice %arg4[%dma_wait3A_633, %dma_wait3A_643, %dma_wait3A_644] : memref<7x16x1024xf32, #tpu.memory_space<vmem>> -> memref<1x16x1024xf32, #tpu.memory_space<vmem>>
    %dma_wait3A_646 = tpu.memref_squeeze %dma_wait3A_645 : memref<1x16x1024xf32, #tpu.memory_space<vmem>> -> memref<16x1024xf32, #tpu.memory_space<vmem>>
    %dma_wait3A_647 = arith.constant 0 : i32
    %dma_wait3A_648 = tpu.memref_slice %arg2[%add3A_632, %dma_wait3A_647] : memref<8192x1024xf32, #tpu.memory_space<hbm>> -> memref<16x1024xf32, #tpu.memory_space<hbm>>
    tpu.wait_dma2 semaphore(%dma_wait3A_642 : memref<!tpu.dma_semaphore, #tpu.memory_space<semaphore_mem>>) src(%dma_wait3A_648 : memref<16x1024xf32, #tpu.memory_space<hbm>>) dst(%dma_wait3A_646 : memref<16x1024xf32, #tpu.memory_space<vmem>>)
    %add3A_649 = arith.constant 144 : i32
    %add3A_650 = arith.addi %mul3A_2, %add3A_649 : i32
    %dma_start3A_651 = arith.constant 2 : i32
    %dma_start3A_652 = arith.constant 2 : i32
    %dma_start3A_653 = arith.constant 0 : i32
    %dma_start3A_654 = arith.constant 0 : i32
    %dma_start3A_655 = tpu.memref_slice %arg4[%dma_start3A_651, %dma_start3A_653, %dma_start3A_654] : memref<7x16x1024xf32, #tpu.memory_space<vmem>> -> memref<1x16x1024xf32, #tpu.memory_space<vmem>>
    %dma_start3A_656 = tpu.memref_squeeze %dma_start3A_655 : memref<1x16x1024xf32, #tpu.memory_space<vmem>> -> memref<16x1024xf32, #tpu.memory_space<vmem>>
    %dma_start3A_657 = arith.constant 0 : i32
    %dma_start3A_658 = tpu.memref_slice %arg3[%add3A_650, %dma_start3A_657] : memref<8192x1024xf32, #tpu.memory_space<hbm>> -> memref<16x1024xf32, #tpu.memory_space<hbm>>
    %dma_start3A_659 = tpu.memref_slice %arg6[%dma_start3A_652] : memref<7x!tpu.dma_semaphore, #tpu.memory_space<semaphore_mem>> -> memref<1x!tpu.dma_semaphore, #tpu.memory_space<semaphore_mem>>
    %dma_start3A_660 = tpu.memref_squeeze %dma_start3A_659 : memref<1x!tpu.dma_semaphore, #tpu.memory_space<semaphore_mem>> -> memref<!tpu.dma_semaphore, #tpu.memory_space<semaphore_mem>>
    %dma_start3A_661 = arith.constant 0 : i32
    %dma_start3A_662 = tpu.memref_slice %arg3[%add3A_650, %dma_start3A_661] : memref<8192x1024xf32, #tpu.memory_space<hbm>> -> memref<16x1024xf32, #tpu.memory_space<hbm>>
    %dma_start3A_663 = arith.constant 0 : i32
    %dma_start3A_664 = arith.constant 0 : i32
    %dma_start3A_665 = tpu.memref_slice %arg4[%dma_start3A_651, %dma_start3A_663, %dma_start3A_664] : memref<7x16x1024xf32, #tpu.memory_space<vmem>> -> memref<1x16x1024xf32, #tpu.memory_space<vmem>>
    %dma_start3A_666 = tpu.memref_squeeze %dma_start3A_665 : memref<1x16x1024xf32, #tpu.memory_space<vmem>> -> memref<16x1024xf32, #tpu.memory_space<vmem>>
    tpu.enqueue_dma source(%dma_start3A_666 : memref<16x1024xf32, #tpu.memory_space<vmem>>) target(%dma_start3A_662 : memref<16x1024xf32, #tpu.memory_space<hbm>>) target_semaphore(%dma_start3A_660 : memref<!tpu.dma_semaphore, #tpu.memory_space<semaphore_mem>>)
    %add3A_667 = arith.constant 80 : i32
    %add3A_668 = arith.addi %mul3A_2, %add3A_667 : i32
    %dma_wait3A_669 = arith.constant 5 : i32
    %dma_wait3A_670 = arith.constant 5 : i32
    %dma_wait3A_671 = arith.constant 0 : i32
    %dma_wait3A_672 = arith.constant 0 : i32
    %dma_wait3A_673 = tpu.memref_slice %arg4[%dma_wait3A_669, %dma_wait3A_671, %dma_wait3A_672] : memref<7x16x1024xf32, #tpu.memory_space<vmem>> -> memref<1x16x1024xf32, #tpu.memory_space<vmem>>
    %dma_wait3A_674 = tpu.memref_squeeze %dma_wait3A_673 : memref<1x16x1024xf32, #tpu.memory_space<vmem>> -> memref<16x1024xf32, #tpu.memory_space<vmem>>
    %dma_wait3A_675 = arith.constant 0 : i32
    %dma_wait3A_676 = tpu.memref_slice %arg3[%add3A_668, %dma_wait3A_675] : memref<8192x1024xf32, #tpu.memory_space<hbm>> -> memref<16x1024xf32, #tpu.memory_space<hbm>>
    %dma_wait3A_677 = tpu.memref_slice %arg6[%dma_wait3A_670] : memref<7x!tpu.dma_semaphore, #tpu.memory_space<semaphore_mem>> -> memref<1x!tpu.dma_semaphore, #tpu.memory_space<semaphore_mem>>
    %dma_wait3A_678 = tpu.memref_squeeze %dma_wait3A_677 : memref<1x!tpu.dma_semaphore, #tpu.memory_space<semaphore_mem>> -> memref<!tpu.dma_semaphore, #tpu.memory_space<semaphore_mem>>
    %dma_wait3A_679 = arith.constant 0 : i32
    %dma_wait3A_680 = tpu.memref_slice %arg3[%add3A_668, %dma_wait3A_679] : memref<8192x1024xf32, #tpu.memory_space<hbm>> -> memref<16x1024xf32, #tpu.memory_space<hbm>>
    %dma_wait3A_681 = arith.constant 0 : i32
    %dma_wait3A_682 = arith.constant 0 : i32
    %dma_wait3A_683 = tpu.memref_slice %arg4[%dma_wait3A_669, %dma_wait3A_681, %dma_wait3A_682] : memref<7x16x1024xf32, #tpu.memory_space<vmem>> -> memref<1x16x1024xf32, #tpu.memory_space<vmem>>
    %dma_wait3A_684 = tpu.memref_squeeze %dma_wait3A_683 : memref<1x16x1024xf32, #tpu.memory_space<vmem>> -> memref<16x1024xf32, #tpu.memory_space<vmem>>
    tpu.wait_dma2 semaphore(%dma_wait3A_678 : memref<!tpu.dma_semaphore, #tpu.memory_space<semaphore_mem>>) src(%dma_wait3A_684 : memref<16x1024xf32, #tpu.memory_space<vmem>>) dst(%dma_wait3A_680 : memref<16x1024xf32, #tpu.memory_space<hbm>>)
    %add3A_685 = arith.constant 192 : i32
    %add3A_686 = arith.addi %mul3A_2, %add3A_685 : i32
    %dma_start3A_687 = arith.constant 5 : i32
    %dma_start3A_688 = arith.constant 5 : i32
    %dma_start3A_689 = arith.constant 0 : i32
    %dma_start3A_690 = arith.constant 0 : i32
    %dma_start3A_691 = tpu.memref_slice %arg4[%dma_start3A_687, %dma_start3A_689, %dma_start3A_690] : memref<7x16x1024xf32, #tpu.memory_space<vmem>> -> memref<1x16x1024xf32, #tpu.memory_space<vmem>>
    %dma_start3A_692 = tpu.memref_squeeze %dma_start3A_691 : memref<1x16x1024xf32, #tpu.memory_space<vmem>> -> memref<16x1024xf32, #tpu.memory_space<vmem>>
    %dma_start3A_693 = arith.constant 0 : i32
    %dma_start3A_694 = tpu.memref_slice %arg2[%add3A_686, %dma_start3A_693] : memref<8192x1024xf32, #tpu.memory_space<hbm>> -> memref<16x1024xf32, #tpu.memory_space<hbm>>
    %dma_start3A_695 = tpu.memref_slice %arg5[%dma_start3A_688] : memref<7x!tpu.dma_semaphore, #tpu.memory_space<semaphore_mem>> -> memref<1x!tpu.dma_semaphore, #tpu.memory_space<semaphore_mem>>
    %dma_start3A_696 = tpu.memref_squeeze %dma_start3A_695 : memref<1x!tpu.dma_semaphore, #tpu.memory_space<semaphore_mem>> -> memref<!tpu.dma_semaphore, #tpu.memory_space<semaphore_mem>>
    %dma_start3A_697 = arith.constant 0 : i32
    %dma_start3A_698 = arith.constant 0 : i32
    %dma_start3A_699 = tpu.memref_slice %arg4[%dma_start3A_687, %dma_start3A_697, %dma_start3A_698] : memref<7x16x1024xf32, #tpu.memory_space<vmem>> -> memref<1x16x1024xf32, #tpu.memory_space<vmem>>
    %dma_start3A_700 = tpu.memref_squeeze %dma_start3A_699 : memref<1x16x1024xf32, #tpu.memory_space<vmem>> -> memref<16x1024xf32, #tpu.memory_space<vmem>>
    %dma_start3A_701 = arith.constant 0 : i32
    %dma_start3A_702 = tpu.memref_slice %arg2[%add3A_686, %dma_start3A_701] : memref<8192x1024xf32, #tpu.memory_space<hbm>> -> memref<16x1024xf32, #tpu.memory_space<hbm>>
    tpu.enqueue_dma source(%dma_start3A_702 : memref<16x1024xf32, #tpu.memory_space<hbm>>) target(%dma_start3A_700 : memref<16x1024xf32, #tpu.memory_space<vmem>>) target_semaphore(%dma_start3A_696 : memref<!tpu.dma_semaphore, #tpu.memory_space<semaphore_mem>>)
    %add3A_703 = arith.constant 160 : i32
    %add3A_704 = arith.addi %mul3A_2, %add3A_703 : i32
    %dma_wait3A_705 = arith.constant 3 : i32
    %dma_wait3A_706 = arith.constant 3 : i32
    %dma_wait3A_707 = arith.constant 0 : i32
    %dma_wait3A_708 = arith.constant 0 : i32
    %dma_wait3A_709 = tpu.memref_slice %arg4[%dma_wait3A_705, %dma_wait3A_707, %dma_wait3A_708] : memref<7x16x1024xf32, #tpu.memory_space<vmem>> -> memref<1x16x1024xf32, #tpu.memory_space<vmem>>
    %dma_wait3A_710 = tpu.memref_squeeze %dma_wait3A_709 : memref<1x16x1024xf32, #tpu.memory_space<vmem>> -> memref<16x1024xf32, #tpu.memory_space<vmem>>
    %dma_wait3A_711 = arith.constant 0 : i32
    %dma_wait3A_712 = tpu.memref_slice %arg2[%add3A_704, %dma_wait3A_711] : memref<8192x1024xf32, #tpu.memory_space<hbm>> -> memref<16x1024xf32, #tpu.memory_space<hbm>>
    %dma_wait3A_713 = tpu.memref_slice %arg5[%dma_wait3A_706] : memref<7x!tpu.dma_semaphore, #tpu.memory_space<semaphore_mem>> -> memref<1x!tpu.dma_semaphore, #tpu.memory_space<semaphore_mem>>
    %dma_wait3A_714 = tpu.memref_squeeze %dma_wait3A_713 : memref<1x!tpu.dma_semaphore, #tpu.memory_space<semaphore_mem>> -> memref<!tpu.dma_semaphore, #tpu.memory_space<semaphore_mem>>
    %dma_wait3A_715 = arith.constant 0 : i32
    %dma_wait3A_716 = arith.constant 0 : i32
    %dma_wait3A_717 = tpu.memref_slice %arg4[%dma_wait3A_705, %dma_wait3A_715, %dma_wait3A_716] : memref<7x16x1024xf32, #tpu.memory_space<vmem>> -> memref<1x16x1024xf32, #tpu.memory_space<vmem>>
    %dma_wait3A_718 = tpu.memref_squeeze %dma_wait3A_717 : memref<1x16x1024xf32, #tpu.memory_space<vmem>> -> memref<16x1024xf32, #tpu.memory_space<vmem>>
    %dma_wait3A_719 = arith.constant 0 : i32
    %dma_wait3A_720 = tpu.memref_slice %arg2[%add3A_704, %dma_wait3A_719] : memref<8192x1024xf32, #tpu.memory_space<hbm>> -> memref<16x1024xf32, #tpu.memory_space<hbm>>
    tpu.wait_dma2 semaphore(%dma_wait3A_714 : memref<!tpu.dma_semaphore, #tpu.memory_space<semaphore_mem>>) src(%dma_wait3A_720 : memref<16x1024xf32, #tpu.memory_space<hbm>>) dst(%dma_wait3A_718 : memref<16x1024xf32, #tpu.memory_space<vmem>>)
    %add3A_721 = arith.constant 160 : i32
    %add3A_722 = arith.addi %mul3A_2, %add3A_721 : i32
    %dma_start3A_723 = arith.constant 3 : i32
    %dma_start3A_724 = arith.constant 3 : i32
    %dma_start3A_725 = arith.constant 0 : i32
    %dma_start3A_726 = arith.constant 0 : i32
    %dma_start3A_727 = tpu.memref_slice %arg4[%dma_start3A_723, %dma_start3A_725, %dma_start3A_726] : memref<7x16x1024xf32, #tpu.memory_space<vmem>> -> memref<1x16x1024xf32, #tpu.memory_space<vmem>>
    %dma_start3A_728 = tpu.memref_squeeze %dma_start3A_727 : memref<1x16x1024xf32, #tpu.memory_space<vmem>> -> memref<16x1024xf32, #tpu.memory_space<vmem>>
    %dma_start3A_729 = arith.constant 0 : i32
    %dma_start3A_730 = tpu.memref_slice %arg3[%add3A_722, %dma_start3A_729] : memref<8192x1024xf32, #tpu.memory_space<hbm>> -> memref<16x1024xf32, #tpu.memory_space<hbm>>
    %dma_start3A_731 = tpu.memref_slice %arg6[%dma_start3A_724] : memref<7x!tpu.dma_semaphore, #tpu.memory_space<semaphore_mem>> -> memref<1x!tpu.dma_semaphore, #tpu.memory_space<semaphore_mem>>
    %dma_start3A_732 = tpu.memref_squeeze %dma_start3A_731 : memref<1x!tpu.dma_semaphore, #tpu.memory_space<semaphore_mem>> -> memref<!tpu.dma_semaphore, #tpu.memory_space<semaphore_mem>>
    %dma_start3A_733 = arith.constant 0 : i32
    %dma_start3A_734 = tpu.memref_slice %arg3[%add3A_722, %dma_start3A_733] : memref<8192x1024xf32, #tpu.memory_space<hbm>> -> memref<16x1024xf32, #tpu.memory_space<hbm>>
    %dma_start3A_735 = arith.constant 0 : i32
    %dma_start3A_736 = arith.constant 0 : i32
    %dma_start3A_737 = tpu.memref_slice %arg4[%dma_start3A_723, %dma_start3A_735, %dma_start3A_736] : memref<7x16x1024xf32, #tpu.memory_space<vmem>> -> memref<1x16x1024xf32, #tpu.memory_space<vmem>>
    %dma_start3A_738 = tpu.memref_squeeze %dma_start3A_737 : memref<1x16x1024xf32, #tpu.memory_space<vmem>> -> memref<16x1024xf32, #tpu.memory_space<vmem>>
    tpu.enqueue_dma source(%dma_start3A_738 : memref<16x1024xf32, #tpu.memory_space<vmem>>) target(%dma_start3A_734 : memref<16x1024xf32, #tpu.memory_space<hbm>>) target_semaphore(%dma_start3A_732 : memref<!tpu.dma_semaphore, #tpu.memory_space<semaphore_mem>>)
    %add3A_739 = arith.constant 96 : i32
    %add3A_740 = arith.addi %mul3A_2, %add3A_739 : i32
    %dma_wait3A_741 = arith.constant 6 : i32
    %dma_wait3A_742 = arith.constant 6 : i32
    %dma_wait3A_743 = arith.constant 0 : i32
    %dma_wait3A_744 = arith.constant 0 : i32
    %dma_wait3A_745 = tpu.memref_slice %arg4[%dma_wait3A_741, %dma_wait3A_743, %dma_wait3A_744] : memref<7x16x1024xf32, #tpu.memory_space<vmem>> -> memref<1x16x1024xf32, #tpu.memory_space<vmem>>
    %dma_wait3A_746 = tpu.memref_squeeze %dma_wait3A_745 : memref<1x16x1024xf32, #tpu.memory_space<vmem>> -> memref<16x1024xf32, #tpu.memory_space<vmem>>
    %dma_wait3A_747 = arith.constant 0 : i32
    %dma_wait3A_748 = tpu.memref_slice %arg3[%add3A_740, %dma_wait3A_747] : memref<8192x1024xf32, #tpu.memory_space<hbm>> -> memref<16x1024xf32, #tpu.memory_space<hbm>>
    %dma_wait3A_749 = tpu.memref_slice %arg6[%dma_wait3A_742] : memref<7x!tpu.dma_semaphore, #tpu.memory_space<semaphore_mem>> -> memref<1x!tpu.dma_semaphore, #tpu.memory_space<semaphore_mem>>
    %dma_wait3A_750 = tpu.memref_squeeze %dma_wait3A_749 : memref<1x!tpu.dma_semaphore, #tpu.memory_space<semaphore_mem>> -> memref<!tpu.dma_semaphore, #tpu.memory_space<semaphore_mem>>
    %dma_wait3A_751 = arith.constant 0 : i32
    %dma_wait3A_752 = tpu.memref_slice %arg3[%add3A_740, %dma_wait3A_751] : memref<8192x1024xf32, #tpu.memory_space<hbm>> -> memref<16x1024xf32, #tpu.memory_space<hbm>>
    %dma_wait3A_753 = arith.constant 0 : i32
    %dma_wait3A_754 = arith.constant 0 : i32
    %dma_wait3A_755 = tpu.memref_slice %arg4[%dma_wait3A_741, %dma_wait3A_753, %dma_wait3A_754] : memref<7x16x1024xf32, #tpu.memory_space<vmem>> -> memref<1x16x1024xf32, #tpu.memory_space<vmem>>
    %dma_wait3A_756 = tpu.memref_squeeze %dma_wait3A_755 : memref<1x16x1024xf32, #tpu.memory_space<vmem>> -> memref<16x1024xf32, #tpu.memory_space<vmem>>
    tpu.wait_dma2 semaphore(%dma_wait3A_750 : memref<!tpu.dma_semaphore, #tpu.memory_space<semaphore_mem>>) src(%dma_wait3A_756 : memref<16x1024xf32, #tpu.memory_space<vmem>>) dst(%dma_wait3A_752 : memref<16x1024xf32, #tpu.memory_space<hbm>>)
    %add3A_757 = arith.constant 208 : i32
    %add3A_758 = arith.addi %mul3A_2, %add3A_757 : i32
    %dma_start3A_759 = arith.constant 6 : i32
    %dma_start3A_760 = arith.constant 6 : i32
    %dma_start3A_761 = arith.constant 0 : i32
    %dma_start3A_762 = arith.constant 0 : i32
    %dma_start3A_763 = tpu.memref_slice %arg4[%dma_start3A_759, %dma_start3A_761, %dma_start3A_762] : memref<7x16x1024xf32, #tpu.memory_space<vmem>> -> memref<1x16x1024xf32, #tpu.memory_space<vmem>>
    %dma_start3A_764 = tpu.memref_squeeze %dma_start3A_763 : memref<1x16x1024xf32, #tpu.memory_space<vmem>> -> memref<16x1024xf32, #tpu.memory_space<vmem>>
    %dma_start3A_765 = arith.constant 0 : i32
    %dma_start3A_766 = tpu.memref_slice %arg2[%add3A_758, %dma_start3A_765] : memref<8192x1024xf32, #tpu.memory_space<hbm>> -> memref<16x1024xf32, #tpu.memory_space<hbm>>
    %dma_start3A_767 = tpu.memref_slice %arg5[%dma_start3A_760] : memref<7x!tpu.dma_semaphore, #tpu.memory_space<semaphore_mem>> -> memref<1x!tpu.dma_semaphore, #tpu.memory_space<semaphore_mem>>
    %dma_start3A_768 = tpu.memref_squeeze %dma_start3A_767 : memref<1x!tpu.dma_semaphore, #tpu.memory_space<semaphore_mem>> -> memref<!tpu.dma_semaphore, #tpu.memory_space<semaphore_mem>>
    %dma_start3A_769 = arith.constant 0 : i32
    %dma_start3A_770 = arith.constant 0 : i32
    %dma_start3A_771 = tpu.memref_slice %arg4[%dma_start3A_759, %dma_start3A_769, %dma_start3A_770] : memref<7x16x1024xf32, #tpu.memory_space<vmem>> -> memref<1x16x1024xf32, #tpu.memory_space<vmem>>
    %dma_start3A_772 = tpu.memref_squeeze %dma_start3A_771 : memref<1x16x1024xf32, #tpu.memory_space<vmem>> -> memref<16x1024xf32, #tpu.memory_space<vmem>>
    %dma_start3A_773 = arith.constant 0 : i32
    %dma_start3A_774 = tpu.memref_slice %arg2[%add3A_758, %dma_start3A_773] : memref<8192x1024xf32, #tpu.memory_space<hbm>> -> memref<16x1024xf32, #tpu.memory_space<hbm>>
    tpu.enqueue_dma source(%dma_start3A_774 : memref<16x1024xf32, #tpu.memory_space<hbm>>) target(%dma_start3A_772 : memref<16x1024xf32, #tpu.memory_space<vmem>>) target_semaphore(%dma_start3A_768 : memref<!tpu.dma_semaphore, #tpu.memory_space<semaphore_mem>>)
    %add3A_775 = arith.constant 176 : i32
    %add3A_776 = arith.addi %mul3A_2, %add3A_775 : i32
    %dma_wait3A_777 = arith.constant 4 : i32
    %dma_wait3A_778 = arith.constant 4 : i32
    %dma_wait3A_779 = arith.constant 0 : i32
    %dma_wait3A_780 = arith.constant 0 : i32
    %dma_wait3A_781 = tpu.memref_slice %arg4[%dma_wait3A_777, %dma_wait3A_779, %dma_wait3A_780] : memref<7x16x1024xf32, #tpu.memory_space<vmem>> -> memref<1x16x1024xf32, #tpu.memory_space<vmem>>
    %dma_wait3A_782 = tpu.memref_squeeze %dma_wait3A_781 : memref<1x16x1024xf32, #tpu.memory_space<vmem>> -> memref<16x1024xf32, #tpu.memory_space<vmem>>
    %dma_wait3A_783 = arith.constant 0 : i32
    %dma_wait3A_784 = tpu.memref_slice %arg2[%add3A_776, %dma_wait3A_783] : memref<8192x1024xf32, #tpu.memory_space<hbm>> -> memref<16x1024xf32, #tpu.memory_space<hbm>>
    %dma_wait3A_785 = tpu.memref_slice %arg5[%dma_wait3A_778] : memref<7x!tpu.dma_semaphore, #tpu.memory_space<semaphore_mem>> -> memref<1x!tpu.dma_semaphore, #tpu.memory_space<semaphore_mem>>
    %dma_wait3A_786 = tpu.memref_squeeze %dma_wait3A_785 : memref<1x!tpu.dma_semaphore, #tpu.memory_space<semaphore_mem>> -> memref<!tpu.dma_semaphore, #tpu.memory_space<semaphore_mem>>
    %dma_wait3A_787 = arith.constant 0 : i32
    %dma_wait3A_788 = arith.constant 0 : i32
    %dma_wait3A_789 = tpu.memref_slice %arg4[%dma_wait3A_777, %dma_wait3A_787, %dma_wait3A_788] : memref<7x16x1024xf32, #tpu.memory_space<vmem>> -> memref<1x16x1024xf32, #tpu.memory_space<vmem>>
    %dma_wait3A_790 = tpu.memref_squeeze %dma_wait3A_789 : memref<1x16x1024xf32, #tpu.memory_space<vmem>> -> memref<16x1024xf32, #tpu.memory_space<vmem>>
    %dma_wait3A_791 = arith.constant 0 : i32
    %dma_wait3A_792 = tpu.memref_slice %arg2[%add3A_776, %dma_wait3A_791] : memref<8192x1024xf32, #tpu.memory_space<hbm>> -> memref<16x1024xf32, #tpu.memory_space<hbm>>
    tpu.wait_dma2 semaphore(%dma_wait3A_786 : memref<!tpu.dma_semaphore, #tpu.memory_space<semaphore_mem>>) src(%dma_wait3A_792 : memref<16x1024xf32, #tpu.memory_space<hbm>>) dst(%dma_wait3A_790 : memref<16x1024xf32, #tpu.memory_space<vmem>>)
    %add3A_793 = arith.constant 176 : i32
    %add3A_794 = arith.addi %mul3A_2, %add3A_793 : i32
    %dma_start3A_795 = arith.constant 4 : i32
    %dma_start3A_796 = arith.constant 4 : i32
    %dma_start3A_797 = arith.constant 0 : i32
    %dma_start3A_798 = arith.constant 0 : i32
    %dma_start3A_799 = tpu.memref_slice %arg4[%dma_start3A_795, %dma_start3A_797, %dma_start3A_798] : memref<7x16x1024xf32, #tpu.memory_space<vmem>> -> memref<1x16x1024xf32, #tpu.memory_space<vmem>>
    %dma_start3A_800 = tpu.memref_squeeze %dma_start3A_799 : memref<1x16x1024xf32, #tpu.memory_space<vmem>> -> memref<16x1024xf32, #tpu.memory_space<vmem>>
    %dma_start3A_801 = arith.constant 0 : i32
    %dma_start3A_802 = tpu.memref_slice %arg3[%add3A_794, %dma_start3A_801] : memref<8192x1024xf32, #tpu.memory_space<hbm>> -> memref<16x1024xf32, #tpu.memory_space<hbm>>
    %dma_start3A_803 = tpu.memref_slice %arg6[%dma_start3A_796] : memref<7x!tpu.dma_semaphore, #tpu.memory_space<semaphore_mem>> -> memref<1x!tpu.dma_semaphore, #tpu.memory_space<semaphore_mem>>
    %dma_start3A_804 = tpu.memref_squeeze %dma_start3A_803 : memref<1x!tpu.dma_semaphore, #tpu.memory_space<semaphore_mem>> -> memref<!tpu.dma_semaphore, #tpu.memory_space<semaphore_mem>>
    %dma_start3A_805 = arith.constant 0 : i32
    %dma_start3A_806 = tpu.memref_slice %arg3[%add3A_794, %dma_start3A_805] : memref<8192x1024xf32, #tpu.memory_space<hbm>> -> memref<16x1024xf32, #tpu.memory_space<hbm>>
    %dma_start3A_807 = arith.constant 0 : i32
    %dma_start3A_808 = arith.constant 0 : i32
    %dma_start3A_809 = tpu.memref_slice %arg4[%dma_start3A_795, %dma_start3A_807, %dma_start3A_808] : memref<7x16x1024xf32, #tpu.memory_space<vmem>> -> memref<1x16x1024xf32, #tpu.memory_space<vmem>>
    %dma_start3A_810 = tpu.memref_squeeze %dma_start3A_809 : memref<1x16x1024xf32, #tpu.memory_space<vmem>> -> memref<16x1024xf32, #tpu.memory_space<vmem>>
    tpu.enqueue_dma source(%dma_start3A_810 : memref<16x1024xf32, #tpu.memory_space<vmem>>) target(%dma_start3A_806 : memref<16x1024xf32, #tpu.memory_space<hbm>>) target_semaphore(%dma_start3A_804 : memref<!tpu.dma_semaphore, #tpu.memory_space<semaphore_mem>>)
    %add3A_811 = arith.constant 112 : i32
    %add3A_812 = arith.addi %mul3A_2, %add3A_811 : i32
    %dma_wait3A_813 = arith.constant 0 : i32
    %dma_wait3A_814 = arith.constant 0 : i32
    %dma_wait3A_815 = arith.constant 0 : i32
    %dma_wait3A_816 = arith.constant 0 : i32
    %dma_wait3A_817 = tpu.memref_slice %arg4[%dma_wait3A_813, %dma_wait3A_815, %dma_wait3A_816] : memref<7x16x1024xf32, #tpu.memory_space<vmem>> -> memref<1x16x1024xf32, #tpu.memory_space<vmem>>
    %dma_wait3A_818 = tpu.memref_squeeze %dma_wait3A_817 : memref<1x16x1024xf32, #tpu.memory_space<vmem>> -> memref<16x1024xf32, #tpu.memory_space<vmem>>
    %dma_wait3A_819 = arith.constant 0 : i32
    %dma_wait3A_820 = tpu.memref_slice %arg3[%add3A_812, %dma_wait3A_819] : memref<8192x1024xf32, #tpu.memory_space<hbm>> -> memref<16x1024xf32, #tpu.memory_space<hbm>>
    %dma_wait3A_821 = tpu.memref_slice %arg6[%dma_wait3A_814] : memref<7x!tpu.dma_semaphore, #tpu.memory_space<semaphore_mem>> -> memref<1x!tpu.dma_semaphore, #tpu.memory_space<semaphore_mem>>
    %dma_wait3A_822 = tpu.memref_squeeze %dma_wait3A_821 : memref<1x!tpu.dma_semaphore, #tpu.memory_space<semaphore_mem>> -> memref<!tpu.dma_semaphore, #tpu.memory_space<semaphore_mem>>
    %dma_wait3A_823 = arith.constant 0 : i32
    %dma_wait3A_824 = tpu.memref_slice %arg3[%add3A_812, %dma_wait3A_823] : memref<8192x1024xf32, #tpu.memory_space<hbm>> -> memref<16x1024xf32, #tpu.memory_space<hbm>>
    %dma_wait3A_825 = arith.constant 0 : i32
    %dma_wait3A_826 = arith.constant 0 : i32
    %dma_wait3A_827 = tpu.memref_slice %arg4[%dma_wait3A_813, %dma_wait3A_825, %dma_wait3A_826] : memref<7x16x1024xf32, #tpu.memory_space<vmem>> -> memref<1x16x1024xf32, #tpu.memory_space<vmem>>
    %dma_wait3A_828 = tpu.memref_squeeze %dma_wait3A_827 : memref<1x16x1024xf32, #tpu.memory_space<vmem>> -> memref<16x1024xf32, #tpu.memory_space<vmem>>
    tpu.wait_dma2 semaphore(%dma_wait3A_822 : memref<!tpu.dma_semaphore, #tpu.memory_space<semaphore_mem>>) src(%dma_wait3A_828 : memref<16x1024xf32, #tpu.memory_space<vmem>>) dst(%dma_wait3A_824 : memref<16x1024xf32, #tpu.memory_space<hbm>>)
    %add3A_829 = arith.constant 224 : i32
    %add3A_830 = arith.addi %mul3A_2, %add3A_829 : i32
    %dma_start3A_831 = arith.constant 0 : i32
    %dma_start3A_832 = arith.constant 0 : i32
    %dma_start3A_833 = arith.constant 0 : i32
    %dma_start3A_834 = arith.constant 0 : i32
    %dma_start3A_835 = tpu.memref_slice %arg4[%dma_start3A_831, %dma_start3A_833, %dma_start3A_834] : memref<7x16x1024xf32, #tpu.memory_space<vmem>> -> memref<1x16x1024xf32, #tpu.memory_space<vmem>>
    %dma_start3A_836 = tpu.memref_squeeze %dma_start3A_835 : memref<1x16x1024xf32, #tpu.memory_space<vmem>> -> memref<16x1024xf32, #tpu.memory_space<vmem>>
    %dma_start3A_837 = arith.constant 0 : i32
    %dma_start3A_838 = tpu.memref_slice %arg2[%add3A_830, %dma_start3A_837] : memref<8192x1024xf32, #tpu.memory_space<hbm>> -> memref<16x1024xf32, #tpu.memory_space<hbm>>
    %dma_start3A_839 = tpu.memref_slice %arg5[%dma_start3A_832] : memref<7x!tpu.dma_semaphore, #tpu.memory_space<semaphore_mem>> -> memref<1x!tpu.dma_semaphore, #tpu.memory_space<semaphore_mem>>
    %dma_start3A_840 = tpu.memref_squeeze %dma_start3A_839 : memref<1x!tpu.dma_semaphore, #tpu.memory_space<semaphore_mem>> -> memref<!tpu.dma_semaphore, #tpu.memory_space<semaphore_mem>>
    %dma_start3A_841 = arith.constant 0 : i32
    %dma_start3A_842 = arith.constant 0 : i32
    %dma_start3A_843 = tpu.memref_slice %arg4[%dma_start3A_831, %dma_start3A_841, %dma_start3A_842] : memref<7x16x1024xf32, #tpu.memory_space<vmem>> -> memref<1x16x1024xf32, #tpu.memory_space<vmem>>
    %dma_start3A_844 = tpu.memref_squeeze %dma_start3A_843 : memref<1x16x1024xf32, #tpu.memory_space<vmem>> -> memref<16x1024xf32, #tpu.memory_space<vmem>>
    %dma_start3A_845 = arith.constant 0 : i32
    %dma_start3A_846 = tpu.memref_slice %arg2[%add3A_830, %dma_start3A_845] : memref<8192x1024xf32, #tpu.memory_space<hbm>> -> memref<16x1024xf32, #tpu.memory_space<hbm>>
    tpu.enqueue_dma source(%dma_start3A_846 : memref<16x1024xf32, #tpu.memory_space<hbm>>) target(%dma_start3A_844 : memref<16x1024xf32, #tpu.memory_space<vmem>>) target_semaphore(%dma_start3A_840 : memref<!tpu.dma_semaphore, #tpu.memory_space<semaphore_mem>>)
    %add3A_847 = arith.constant 192 : i32
    %add3A_848 = arith.addi %mul3A_2, %add3A_847 : i32
    %dma_wait3A_849 = arith.constant 5 : i32
    %dma_wait3A_850 = arith.constant 5 : i32
    %dma_wait3A_851 = arith.constant 0 : i32
    %dma_wait3A_852 = arith.constant 0 : i32
    %dma_wait3A_853 = tpu.memref_slice %arg4[%dma_wait3A_849, %dma_wait3A_851, %dma_wait3A_852] : memref<7x16x1024xf32, #tpu.memory_space<vmem>> -> memref<1x16x1024xf32, #tpu.memory_space<vmem>>
    %dma_wait3A_854 = tpu.memref_squeeze %dma_wait3A_853 : memref<1x16x1024xf32, #tpu.memory_space<vmem>> -> memref<16x1024xf32, #tpu.memory_space<vmem>>
    %dma_wait3A_855 = arith.constant 0 : i32
    %dma_wait3A_856 = tpu.memref_slice %arg2[%add3A_848, %dma_wait3A_855] : memref<8192x1024xf32, #tpu.memory_space<hbm>> -> memref<16x1024xf32, #tpu.memory_space<hbm>>
    %dma_wait3A_857 = tpu.memref_slice %arg5[%dma_wait3A_850] : memref<7x!tpu.dma_semaphore, #tpu.memory_space<semaphore_mem>> -> memref<1x!tpu.dma_semaphore, #tpu.memory_space<semaphore_mem>>
    %dma_wait3A_858 = tpu.memref_squeeze %dma_wait3A_857 : memref<1x!tpu.dma_semaphore, #tpu.memory_space<semaphore_mem>> -> memref<!tpu.dma_semaphore, #tpu.memory_space<semaphore_mem>>
    %dma_wait3A_859 = arith.constant 0 : i32
    %dma_wait3A_860 = arith.constant 0 : i32
    %dma_wait3A_861 = tpu.memref_slice %arg4[%dma_wait3A_849, %dma_wait3A_859, %dma_wait3A_860] : memref<7x16x1024xf32, #tpu.memory_space<vmem>> -> memref<1x16x1024xf32, #tpu.memory_space<vmem>>
    %dma_wait3A_862 = tpu.memref_squeeze %dma_wait3A_861 : memref<1x16x1024xf32, #tpu.memory_space<vmem>> -> memref<16x1024xf32, #tpu.memory_space<vmem>>
    %dma_wait3A_863 = arith.constant 0 : i32
    %dma_wait3A_864 = tpu.memref_slice %arg2[%add3A_848, %dma_wait3A_863] : memref<8192x1024xf32, #tpu.memory_space<hbm>> -> memref<16x1024xf32, #tpu.memory_space<hbm>>
    tpu.wait_dma2 semaphore(%dma_wait3A_858 : memref<!tpu.dma_semaphore, #tpu.memory_space<semaphore_mem>>) src(%dma_wait3A_864 : memref<16x1024xf32, #tpu.memory_space<hbm>>) dst(%dma_wait3A_862 : memref<16x1024xf32, #tpu.memory_space<vmem>>)
    %add3A_865 = arith.constant 192 : i32
    %add3A_866 = arith.addi %mul3A_2, %add3A_865 : i32
    %dma_start3A_867 = arith.constant 5 : i32
    %dma_start3A_868 = arith.constant 5 : i32
    %dma_start3A_869 = arith.constant 0 : i32
    %dma_start3A_870 = arith.constant 0 : i32
    %dma_start3A_871 = tpu.memref_slice %arg4[%dma_start3A_867, %dma_start3A_869, %dma_start3A_870] : memref<7x16x1024xf32, #tpu.memory_space<vmem>> -> memref<1x16x1024xf32, #tpu.memory_space<vmem>>
    %dma_start3A_872 = tpu.memref_squeeze %dma_start3A_871 : memref<1x16x1024xf32, #tpu.memory_space<vmem>> -> memref<16x1024xf32, #tpu.memory_space<vmem>>
    %dma_start3A_873 = arith.constant 0 : i32
    %dma_start3A_874 = tpu.memref_slice %arg3[%add3A_866, %dma_start3A_873] : memref<8192x1024xf32, #tpu.memory_space<hbm>> -> memref<16x1024xf32, #tpu.memory_space<hbm>>
    %dma_start3A_875 = tpu.memref_slice %arg6[%dma_start3A_868] : memref<7x!tpu.dma_semaphore, #tpu.memory_space<semaphore_mem>> -> memref<1x!tpu.dma_semaphore, #tpu.memory_space<semaphore_mem>>
    %dma_start3A_876 = tpu.memref_squeeze %dma_start3A_875 : memref<1x!tpu.dma_semaphore, #tpu.memory_space<semaphore_mem>> -> memref<!tpu.dma_semaphore, #tpu.memory_space<semaphore_mem>>
    %dma_start3A_877 = arith.constant 0 : i32
    %dma_start3A_878 = tpu.memref_slice %arg3[%add3A_866, %dma_start3A_877] : memref<8192x1024xf32, #tpu.memory_space<hbm>> -> memref<16x1024xf32, #tpu.memory_space<hbm>>
    %dma_start3A_879 = arith.constant 0 : i32
    %dma_start3A_880 = arith.constant 0 : i32
    %dma_start3A_881 = tpu.memref_slice %arg4[%dma_start3A_867, %dma_start3A_879, %dma_start3A_880] : memref<7x16x1024xf32, #tpu.memory_space<vmem>> -> memref<1x16x1024xf32, #tpu.memory_space<vmem>>
    %dma_start3A_882 = tpu.memref_squeeze %dma_start3A_881 : memref<1x16x1024xf32, #tpu.memory_space<vmem>> -> memref<16x1024xf32, #tpu.memory_space<vmem>>
    tpu.enqueue_dma source(%dma_start3A_882 : memref<16x1024xf32, #tpu.memory_space<vmem>>) target(%dma_start3A_878 : memref<16x1024xf32, #tpu.memory_space<hbm>>) target_semaphore(%dma_start3A_876 : memref<!tpu.dma_semaphore, #tpu.memory_space<semaphore_mem>>)
    %add3A_883 = arith.constant 128 : i32
    %add3A_884 = arith.addi %mul3A_2, %add3A_883 : i32
    %dma_wait3A_885 = arith.constant 1 : i32
    %dma_wait3A_886 = arith.constant 1 : i32
    %dma_wait3A_887 = arith.constant 0 : i32
    %dma_wait3A_888 = arith.constant 0 : i32
    %dma_wait3A_889 = tpu.memref_slice %arg4[%dma_wait3A_885, %dma_wait3A_887, %dma_wait3A_888] : memref<7x16x1024xf32, #tpu.memory_space<vmem>> -> memref<1x16x1024xf32, #tpu.memory_space<vmem>>
    %dma_wait3A_890 = tpu.memref_squeeze %dma_wait3A_889 : memref<1x16x1024xf32, #tpu.memory_space<vmem>> -> memref<16x1024xf32, #tpu.memory_space<vmem>>
    %dma_wait3A_891 = arith.constant 0 : i32
    %dma_wait3A_892 = tpu.memref_slice %arg3[%add3A_884, %dma_wait3A_891] : memref<8192x1024xf32, #tpu.memory_space<hbm>> -> memref<16x1024xf32, #tpu.memory_space<hbm>>
    %dma_wait3A_893 = tpu.memref_slice %arg6[%dma_wait3A_886] : memref<7x!tpu.dma_semaphore, #tpu.memory_space<semaphore_mem>> -> memref<1x!tpu.dma_semaphore, #tpu.memory_space<semaphore_mem>>
    %dma_wait3A_894 = tpu.memref_squeeze %dma_wait3A_893 : memref<1x!tpu.dma_semaphore, #tpu.memory_space<semaphore_mem>> -> memref<!tpu.dma_semaphore, #tpu.memory_space<semaphore_mem>>
    %dma_wait3A_895 = arith.constant 0 : i32
    %dma_wait3A_896 = tpu.memref_slice %arg3[%add3A_884, %dma_wait3A_895] : memref<8192x1024xf32, #tpu.memory_space<hbm>> -> memref<16x1024xf32, #tpu.memory_space<hbm>>
    %dma_wait3A_897 = arith.constant 0 : i32
    %dma_wait3A_898 = arith.constant 0 : i32
    %dma_wait3A_899 = tpu.memref_slice %arg4[%dma_wait3A_885, %dma_wait3A_897, %dma_wait3A_898] : memref<7x16x1024xf32, #tpu.memory_space<vmem>> -> memref<1x16x1024xf32, #tpu.memory_space<vmem>>
    %dma_wait3A_900 = tpu.memref_squeeze %dma_wait3A_899 : memref<1x16x1024xf32, #tpu.memory_space<vmem>> -> memref<16x1024xf32, #tpu.memory_space<vmem>>
    tpu.wait_dma2 semaphore(%dma_wait3A_894 : memref<!tpu.dma_semaphore, #tpu.memory_space<semaphore_mem>>) src(%dma_wait3A_900 : memref<16x1024xf32, #tpu.memory_space<vmem>>) dst(%dma_wait3A_896 : memref<16x1024xf32, #tpu.memory_space<hbm>>)
    %add3A_901 = arith.constant 240 : i32
    %add3A_902 = arith.addi %mul3A_2, %add3A_901 : i32
    %dma_start3A_903 = arith.constant 1 : i32
    %dma_start3A_904 = arith.constant 1 : i32
    %dma_start3A_905 = arith.constant 0 : i32
    %dma_start3A_906 = arith.constant 0 : i32
    %dma_start3A_907 = tpu.memref_slice %arg4[%dma_start3A_903, %dma_start3A_905, %dma_start3A_906] : memref<7x16x1024xf32, #tpu.memory_space<vmem>> -> memref<1x16x1024xf32, #tpu.memory_space<vmem>>
    %dma_start3A_908 = tpu.memref_squeeze %dma_start3A_907 : memref<1x16x1024xf32, #tpu.memory_space<vmem>> -> memref<16x1024xf32, #tpu.memory_space<vmem>>
    %dma_start3A_909 = arith.constant 0 : i32
    %dma_start3A_910 = tpu.memref_slice %arg2[%add3A_902, %dma_start3A_909] : memref<8192x1024xf32, #tpu.memory_space<hbm>> -> memref<16x1024xf32, #tpu.memory_space<hbm>>
    %dma_start3A_911 = tpu.memref_slice %arg5[%dma_start3A_904] : memref<7x!tpu.dma_semaphore, #tpu.memory_space<semaphore_mem>> -> memref<1x!tpu.dma_semaphore, #tpu.memory_space<semaphore_mem>>
    %dma_start3A_912 = tpu.memref_squeeze %dma_start3A_911 : memref<1x!tpu.dma_semaphore, #tpu.memory_space<semaphore_mem>> -> memref<!tpu.dma_semaphore, #tpu.memory_space<semaphore_mem>>
    %dma_start3A_913 = arith.constant 0 : i32
    %dma_start3A_914 = arith.constant 0 : i32
    %dma_start3A_915 = tpu.memref_slice %arg4[%dma_start3A_903, %dma_start3A_913, %dma_start3A_914] : memref<7x16x1024xf32, #tpu.memory_space<vmem>> -> memref<1x16x1024xf32, #tpu.memory_space<vmem>>
    %dma_start3A_916 = tpu.memref_squeeze %dma_start3A_915 : memref<1x16x1024xf32, #tpu.memory_space<vmem>> -> memref<16x1024xf32, #tpu.memory_space<vmem>>
    %dma_start3A_917 = arith.constant 0 : i32
    %dma_start3A_918 = tpu.memref_slice %arg2[%add3A_902, %dma_start3A_917] : memref<8192x1024xf32, #tpu.memory_space<hbm>> -> memref<16x1024xf32, #tpu.memory_space<hbm>>
    tpu.enqueue_dma source(%dma_start3A_918 : memref<16x1024xf32, #tpu.memory_space<hbm>>) target(%dma_start3A_916 : memref<16x1024xf32, #tpu.memory_space<vmem>>) target_semaphore(%dma_start3A_912 : memref<!tpu.dma_semaphore, #tpu.memory_space<semaphore_mem>>)
    %add3A_919 = arith.constant 208 : i32
    %add3A_920 = arith.addi %mul3A_2, %add3A_919 : i32
    %dma_wait3A_921 = arith.constant 6 : i32
    %dma_wait3A_922 = arith.constant 6 : i32
    %dma_wait3A_923 = arith.constant 0 : i32
    %dma_wait3A_924 = arith.constant 0 : i32
    %dma_wait3A_925 = tpu.memref_slice %arg4[%dma_wait3A_921, %dma_wait3A_923, %dma_wait3A_924] : memref<7x16x1024xf32, #tpu.memory_space<vmem>> -> memref<1x16x1024xf32, #tpu.memory_space<vmem>>
    %dma_wait3A_926 = tpu.memref_squeeze %dma_wait3A_925 : memref<1x16x1024xf32, #tpu.memory_space<vmem>> -> memref<16x1024xf32, #tpu.memory_space<vmem>>
    %dma_wait3A_927 = arith.constant 0 : i32
    %dma_wait3A_928 = tpu.memref_slice %arg2[%add3A_920, %dma_wait3A_927] : memref<8192x1024xf32, #tpu.memory_space<hbm>> -> memref<16x1024xf32, #tpu.memory_space<hbm>>
    %dma_wait3A_929 = tpu.memref_slice %arg5[%dma_wait3A_922] : memref<7x!tpu.dma_semaphore, #tpu.memory_space<semaphore_mem>> -> memref<1x!tpu.dma_semaphore, #tpu.memory_space<semaphore_mem>>
    %dma_wait3A_930 = tpu.memref_squeeze %dma_wait3A_929 : memref<1x!tpu.dma_semaphore, #tpu.memory_space<semaphore_mem>> -> memref<!tpu.dma_semaphore, #tpu.memory_space<semaphore_mem>>
    %dma_wait3A_931 = arith.constant 0 : i32
    %dma_wait3A_932 = arith.constant 0 : i32
    %dma_wait3A_933 = tpu.memref_slice %arg4[%dma_wait3A_921, %dma_wait3A_931, %dma_wait3A_932] : memref<7x16x1024xf32, #tpu.memory_space<vmem>> -> memref<1x16x1024xf32, #tpu.memory_space<vmem>>
    %dma_wait3A_934 = tpu.memref_squeeze %dma_wait3A_933 : memref<1x16x1024xf32, #tpu.memory_space<vmem>> -> memref<16x1024xf32, #tpu.memory_space<vmem>>
    %dma_wait3A_935 = arith.constant 0 : i32
    %dma_wait3A_936 = tpu.memref_slice %arg2[%add3A_920, %dma_wait3A_935] : memref<8192x1024xf32, #tpu.memory_space<hbm>> -> memref<16x1024xf32, #tpu.memory_space<hbm>>
    tpu.wait_dma2 semaphore(%dma_wait3A_930 : memref<!tpu.dma_semaphore, #tpu.memory_space<semaphore_mem>>) src(%dma_wait3A_936 : memref<16x1024xf32, #tpu.memory_space<hbm>>) dst(%dma_wait3A_934 : memref<16x1024xf32, #tpu.memory_space<vmem>>)
    %add3A_937 = arith.constant 208 : i32
    %add3A_938 = arith.addi %mul3A_2, %add3A_937 : i32
    %dma_start3A_939 = arith.constant 6 : i32
    %dma_start3A_940 = arith.constant 6 : i32
    %dma_start3A_941 = arith.constant 0 : i32
    %dma_start3A_942 = arith.constant 0 : i32
    %dma_start3A_943 = tpu.memref_slice %arg4[%dma_start3A_939, %dma_start3A_941, %dma_start3A_942] : memref<7x16x1024xf32, #tpu.memory_space<vmem>> -> memref<1x16x1024xf32, #tpu.memory_space<vmem>>
    %dma_start3A_944 = tpu.memref_squeeze %dma_start3A_943 : memref<1x16x1024xf32, #tpu.memory_space<vmem>> -> memref<16x1024xf32, #tpu.memory_space<vmem>>
    %dma_start3A_945 = arith.constant 0 : i32
    %dma_start3A_946 = tpu.memref_slice %arg3[%add3A_938, %dma_start3A_945] : memref<8192x1024xf32, #tpu.memory_space<hbm>> -> memref<16x1024xf32, #tpu.memory_space<hbm>>
    %dma_start3A_947 = tpu.memref_slice %arg6[%dma_start3A_940] : memref<7x!tpu.dma_semaphore, #tpu.memory_space<semaphore_mem>> -> memref<1x!tpu.dma_semaphore, #tpu.memory_space<semaphore_mem>>
    %dma_start3A_948 = tpu.memref_squeeze %dma_start3A_947 : memref<1x!tpu.dma_semaphore, #tpu.memory_space<semaphore_mem>> -> memref<!tpu.dma_semaphore, #tpu.memory_space<semaphore_mem>>
    %dma_start3A_949 = arith.constant 0 : i32
    %dma_start3A_950 = tpu.memref_slice %arg3[%add3A_938, %dma_start3A_949] : memref<8192x1024xf32, #tpu.memory_space<hbm>> -> memref<16x1024xf32, #tpu.memory_space<hbm>>
    %dma_start3A_951 = arith.constant 0 : i32
    %dma_start3A_952 = arith.constant 0 : i32
    %dma_start3A_953 = tpu.memref_slice %arg4[%dma_start3A_939, %dma_start3A_951, %dma_start3A_952] : memref<7x16x1024xf32, #tpu.memory_space<vmem>> -> memref<1x16x1024xf32, #tpu.memory_space<vmem>>
    %dma_start3A_954 = tpu.memref_squeeze %dma_start3A_953 : memref<1x16x1024xf32, #tpu.memory_space<vmem>> -> memref<16x1024xf32, #tpu.memory_space<vmem>>
    tpu.enqueue_dma source(%dma_start3A_954 : memref<16x1024xf32, #tpu.memory_space<vmem>>) target(%dma_start3A_950 : memref<16x1024xf32, #tpu.memory_space<hbm>>) target_semaphore(%dma_start3A_948 : memref<!tpu.dma_semaphore, #tpu.memory_space<semaphore_mem>>)
    %add3A_955 = arith.constant 224 : i32
    %add3A_956 = arith.addi %mul3A_2, %add3A_955 : i32
    %dma_wait3A_957 = arith.constant 0 : i32
    %dma_wait3A_958 = arith.constant 0 : i32
    %dma_wait3A_959 = arith.constant 0 : i32
    %dma_wait3A_960 = arith.constant 0 : i32
    %dma_wait3A_961 = tpu.memref_slice %arg4[%dma_wait3A_957, %dma_wait3A_959, %dma_wait3A_960] : memref<7x16x1024xf32, #tpu.memory_space<vmem>> -> memref<1x16x1024xf32, #tpu.memory_space<vmem>>
    %dma_wait3A_962 = tpu.memref_squeeze %dma_wait3A_961 : memref<1x16x1024xf32, #tpu.memory_space<vmem>> -> memref<16x1024xf32, #tpu.memory_space<vmem>>
    %dma_wait3A_963 = arith.constant 0 : i32
    %dma_wait3A_964 = tpu.memref_slice %arg2[%add3A_956, %dma_wait3A_963] : memref<8192x1024xf32, #tpu.memory_space<hbm>> -> memref<16x1024xf32, #tpu.memory_space<hbm>>
    %dma_wait3A_965 = tpu.memref_slice %arg5[%dma_wait3A_958] : memref<7x!tpu.dma_semaphore, #tpu.memory_space<semaphore_mem>> -> memref<1x!tpu.dma_semaphore, #tpu.memory_space<semaphore_mem>>
    %dma_wait3A_966 = tpu.memref_squeeze %dma_wait3A_965 : memref<1x!tpu.dma_semaphore, #tpu.memory_space<semaphore_mem>> -> memref<!tpu.dma_semaphore, #tpu.memory_space<semaphore_mem>>
    %dma_wait3A_967 = arith.constant 0 : i32
    %dma_wait3A_968 = arith.constant 0 : i32
    %dma_wait3A_969 = tpu.memref_slice %arg4[%dma_wait3A_957, %dma_wait3A_967, %dma_wait3A_968] : memref<7x16x1024xf32, #tpu.memory_space<vmem>> -> memref<1x16x1024xf32, #tpu.memory_space<vmem>>
    %dma_wait3A_970 = tpu.memref_squeeze %dma_wait3A_969 : memref<1x16x1024xf32, #tpu.memory_space<vmem>> -> memref<16x1024xf32, #tpu.memory_space<vmem>>
    %dma_wait3A_971 = arith.constant 0 : i32
    %dma_wait3A_972 = tpu.memref_slice %arg2[%add3A_956, %dma_wait3A_971] : memref<8192x1024xf32, #tpu.memory_space<hbm>> -> memref<16x1024xf32, #tpu.memory_space<hbm>>
    tpu.wait_dma2 semaphore(%dma_wait3A_966 : memref<!tpu.dma_semaphore, #tpu.memory_space<semaphore_mem>>) src(%dma_wait3A_972 : memref<16x1024xf32, #tpu.memory_space<hbm>>) dst(%dma_wait3A_970 : memref<16x1024xf32, #tpu.memory_space<vmem>>)
    %add3A_973 = arith.constant 224 : i32
    %add3A_974 = arith.addi %mul3A_2, %add3A_973 : i32
    %dma_start3A_975 = arith.constant 0 : i32
    %dma_start3A_976 = arith.constant 0 : i32
    %dma_start3A_977 = arith.constant 0 : i32
    %dma_start3A_978 = arith.constant 0 : i32
    %dma_start3A_979 = tpu.memref_slice %arg4[%dma_start3A_975, %dma_start3A_977, %dma_start3A_978] : memref<7x16x1024xf32, #tpu.memory_space<vmem>> -> memref<1x16x1024xf32, #tpu.memory_space<vmem>>
    %dma_start3A_980 = tpu.memref_squeeze %dma_start3A_979 : memref<1x16x1024xf32, #tpu.memory_space<vmem>> -> memref<16x1024xf32, #tpu.memory_space<vmem>>
    %dma_start3A_981 = arith.constant 0 : i32
    %dma_start3A_982 = tpu.memref_slice %arg3[%add3A_974, %dma_start3A_981] : memref<8192x1024xf32, #tpu.memory_space<hbm>> -> memref<16x1024xf32, #tpu.memory_space<hbm>>
    %dma_start3A_983 = tpu.memref_slice %arg6[%dma_start3A_976] : memref<7x!tpu.dma_semaphore, #tpu.memory_space<semaphore_mem>> -> memref<1x!tpu.dma_semaphore, #tpu.memory_space<semaphore_mem>>
    %dma_start3A_984 = tpu.memref_squeeze %dma_start3A_983 : memref<1x!tpu.dma_semaphore, #tpu.memory_space<semaphore_mem>> -> memref<!tpu.dma_semaphore, #tpu.memory_space<semaphore_mem>>
    %dma_start3A_985 = arith.constant 0 : i32
    %dma_start3A_986 = tpu.memref_slice %arg3[%add3A_974, %dma_start3A_985] : memref<8192x1024xf32, #tpu.memory_space<hbm>> -> memref<16x1024xf32, #tpu.memory_space<hbm>>
    %dma_start3A_987 = arith.constant 0 : i32
    %dma_start3A_988 = arith.constant 0 : i32
    %dma_start3A_989 = tpu.memref_slice %arg4[%dma_start3A_975, %dma_start3A_987, %dma_start3A_988] : memref<7x16x1024xf32, #tpu.memory_space<vmem>> -> memref<1x16x1024xf32, #tpu.memory_space<vmem>>
    %dma_start3A_990 = tpu.memref_squeeze %dma_start3A_989 : memref<1x16x1024xf32, #tpu.memory_space<vmem>> -> memref<16x1024xf32, #tpu.memory_space<vmem>>
    tpu.enqueue_dma source(%dma_start3A_990 : memref<16x1024xf32, #tpu.memory_space<vmem>>) target(%dma_start3A_986 : memref<16x1024xf32, #tpu.memory_space<hbm>>) target_semaphore(%dma_start3A_984 : memref<!tpu.dma_semaphore, #tpu.memory_space<semaphore_mem>>)
    %add3A_991 = arith.constant 240 : i32
    %add3A_992 = arith.addi %mul3A_2, %add3A_991 : i32
    %dma_wait3A_993 = arith.constant 1 : i32
    %dma_wait3A_994 = arith.constant 1 : i32
    %dma_wait3A_995 = arith.constant 0 : i32
    %dma_wait3A_996 = arith.constant 0 : i32
    %dma_wait3A_997 = tpu.memref_slice %arg4[%dma_wait3A_993, %dma_wait3A_995, %dma_wait3A_996] : memref<7x16x1024xf32, #tpu.memory_space<vmem>> -> memref<1x16x1024xf32, #tpu.memory_space<vmem>>
    %dma_wait3A_998 = tpu.memref_squeeze %dma_wait3A_997 : memref<1x16x1024xf32, #tpu.memory_space<vmem>> -> memref<16x1024xf32, #tpu.memory_space<vmem>>
    %dma_wait3A_999 = arith.constant 0 : i32
    %dma_wait3A_1000 = tpu.memref_slice %arg2[%add3A_992, %dma_wait3A_999] : memref<8192x1024xf32, #tpu.memory_space<hbm>> -> memref<16x1024xf32, #tpu.memory_space<hbm>>
    %dma_wait3A_1001 = tpu.memref_slice %arg5[%dma_wait3A_994] : memref<7x!tpu.dma_semaphore, #tpu.memory_space<semaphore_mem>> -> memref<1x!tpu.dma_semaphore, #tpu.memory_space<semaphore_mem>>
    %dma_wait3A_1002 = tpu.memref_squeeze %dma_wait3A_1001 : memref<1x!tpu.dma_semaphore, #tpu.memory_space<semaphore_mem>> -> memref<!tpu.dma_semaphore, #tpu.memory_space<semaphore_mem>>
    %dma_wait3A_1003 = arith.constant 0 : i32
    %dma_wait3A_1004 = arith.constant 0 : i32
    %dma_wait3A_1005 = tpu.memref_slice %arg4[%dma_wait3A_993, %dma_wait3A_1003, %dma_wait3A_1004] : memref<7x16x1024xf32, #tpu.memory_space<vmem>> -> memref<1x16x1024xf32, #tpu.memory_space<vmem>>
    %dma_wait3A_1006 = tpu.memref_squeeze %dma_wait3A_1005 : memref<1x16x1024xf32, #tpu.memory_space<vmem>> -> memref<16x1024xf32, #tpu.memory_space<vmem>>
    %dma_wait3A_1007 = arith.constant 0 : i32
    %dma_wait3A_1008 = tpu.memref_slice %arg2[%add3A_992, %dma_wait3A_1007] : memref<8192x1024xf32, #tpu.memory_space<hbm>> -> memref<16x1024xf32, #tpu.memory_space<hbm>>
    tpu.wait_dma2 semaphore(%dma_wait3A_1002 : memref<!tpu.dma_semaphore, #tpu.memory_space<semaphore_mem>>) src(%dma_wait3A_1008 : memref<16x1024xf32, #tpu.memory_space<hbm>>) dst(%dma_wait3A_1006 : memref<16x1024xf32, #tpu.memory_space<vmem>>)
    %add3A_1009 = arith.constant 240 : i32
    %add3A_1010 = arith.addi %mul3A_2, %add3A_1009 : i32
    %dma_start3A_1011 = arith.constant 1 : i32
    %dma_start3A_1012 = arith.constant 1 : i32
    %dma_start3A_1013 = arith.constant 0 : i32
    %dma_start3A_1014 = arith.constant 0 : i32
    %dma_start3A_1015 = tpu.memref_slice %arg4[%dma_start3A_1011, %dma_start3A_1013, %dma_start3A_1014] : memref<7x16x1024xf32, #tpu.memory_space<vmem>> -> memref<1x16x1024xf32, #tpu.memory_space<vmem>>
    %dma_start3A_1016 = tpu.memref_squeeze %dma_start3A_1015 : memref<1x16x1024xf32, #tpu.memory_space<vmem>> -> memref<16x1024xf32, #tpu.memory_space<vmem>>
    %dma_start3A_1017 = arith.constant 0 : i32
    %dma_start3A_1018 = tpu.memref_slice %arg3[%add3A_1010, %dma_start3A_1017] : memref<8192x1024xf32, #tpu.memory_space<hbm>> -> memref<16x1024xf32, #tpu.memory_space<hbm>>
    %dma_start3A_1019 = tpu.memref_slice %arg6[%dma_start3A_1012] : memref<7x!tpu.dma_semaphore, #tpu.memory_space<semaphore_mem>> -> memref<1x!tpu.dma_semaphore, #tpu.memory_space<semaphore_mem>>
    %dma_start3A_1020 = tpu.memref_squeeze %dma_start3A_1019 : memref<1x!tpu.dma_semaphore, #tpu.memory_space<semaphore_mem>> -> memref<!tpu.dma_semaphore, #tpu.memory_space<semaphore_mem>>
    %dma_start3A_1021 = arith.constant 0 : i32
    %dma_start3A_1022 = tpu.memref_slice %arg3[%add3A_1010, %dma_start3A_1021] : memref<8192x1024xf32, #tpu.memory_space<hbm>> -> memref<16x1024xf32, #tpu.memory_space<hbm>>
    %dma_start3A_1023 = arith.constant 0 : i32
    %dma_start3A_1024 = arith.constant 0 : i32
    %dma_start3A_1025 = tpu.memref_slice %arg4[%dma_start3A_1011, %dma_start3A_1023, %dma_start3A_1024] : memref<7x16x1024xf32, #tpu.memory_space<vmem>> -> memref<1x16x1024xf32, #tpu.memory_space<vmem>>
    %dma_start3A_1026 = tpu.memref_squeeze %dma_start3A_1025 : memref<1x16x1024xf32, #tpu.memory_space<vmem>> -> memref<16x1024xf32, #tpu.memory_space<vmem>>
    tpu.enqueue_dma source(%dma_start3A_1026 : memref<16x1024xf32, #tpu.memory_space<vmem>>) target(%dma_start3A_1022 : memref<16x1024xf32, #tpu.memory_space<hbm>>) target_semaphore(%dma_start3A_1020 : memref<!tpu.dma_semaphore, #tpu.memory_space<semaphore_mem>>)
    %add3A_1027 = arith.constant 144 : i32
    %add3A_1028 = arith.addi %mul3A_2, %add3A_1027 : i32
    %dma_wait3A_1029 = arith.constant 2 : i32
    %dma_wait3A_1030 = arith.constant 2 : i32
    %dma_wait3A_1031 = arith.constant 0 : i32
    %dma_wait3A_1032 = arith.constant 0 : i32
    %dma_wait3A_1033 = tpu.memref_slice %arg4[%dma_wait3A_1029, %dma_wait3A_1031, %dma_wait3A_1032] : memref<7x16x1024xf32, #tpu.memory_space<vmem>> -> memref<1x16x1024xf32, #tpu.memory_space<vmem>>
    %dma_wait3A_1034 = tpu.memref_squeeze %dma_wait3A_1033 : memref<1x16x1024xf32, #tpu.memory_space<vmem>> -> memref<16x1024xf32, #tpu.memory_space<vmem>>
    %dma_wait3A_1035 = arith.constant 0 : i32
    %dma_wait3A_1036 = tpu.memref_slice %arg3[%add3A_1028, %dma_wait3A_1035] : memref<8192x1024xf32, #tpu.memory_space<hbm>> -> memref<16x1024xf32, #tpu.memory_space<hbm>>
    %dma_wait3A_1037 = tpu.memref_slice %arg6[%dma_wait3A_1030] : memref<7x!tpu.dma_semaphore, #tpu.memory_space<semaphore_mem>> -> memref<1x!tpu.dma_semaphore, #tpu.memory_space<semaphore_mem>>
    %dma_wait3A_1038 = tpu.memref_squeeze %dma_wait3A_1037 : memref<1x!tpu.dma_semaphore, #tpu.memory_space<semaphore_mem>> -> memref<!tpu.dma_semaphore, #tpu.memory_space<semaphore_mem>>
    %dma_wait3A_1039 = arith.constant 0 : i32
    %dma_wait3A_1040 = tpu.memref_slice %arg3[%add3A_1028, %dma_wait3A_1039] : memref<8192x1024xf32, #tpu.memory_space<hbm>> -> memref<16x1024xf32, #tpu.memory_space<hbm>>
    %dma_wait3A_1041 = arith.constant 0 : i32
    %dma_wait3A_1042 = arith.constant 0 : i32
    %dma_wait3A_1043 = tpu.memref_slice %arg4[%dma_wait3A_1029, %dma_wait3A_1041, %dma_wait3A_1042] : memref<7x16x1024xf32, #tpu.memory_space<vmem>> -> memref<1x16x1024xf32, #tpu.memory_space<vmem>>
    %dma_wait3A_1044 = tpu.memref_squeeze %dma_wait3A_1043 : memref<1x16x1024xf32, #tpu.memory_space<vmem>> -> memref<16x1024xf32, #tpu.memory_space<vmem>>
    tpu.wait_dma2 semaphore(%dma_wait3A_1038 : memref<!tpu.dma_semaphore, #tpu.memory_space<semaphore_mem>>) src(%dma_wait3A_1044 : memref<16x1024xf32, #tpu.memory_space<vmem>>) dst(%dma_wait3A_1040 : memref<16x1024xf32, #tpu.memory_space<hbm>>)
    %add3A_1045 = arith.constant 160 : i32
    %add3A_1046 = arith.addi %mul3A_2, %add3A_1045 : i32
    %dma_wait3A_1047 = arith.constant 3 : i32
    %dma_wait3A_1048 = arith.constant 3 : i32
    %dma_wait3A_1049 = arith.constant 0 : i32
    %dma_wait3A_1050 = arith.constant 0 : i32
    %dma_wait3A_1051 = tpu.memref_slice %arg4[%dma_wait3A_1047, %dma_wait3A_1049, %dma_wait3A_1050] : memref<7x16x1024xf32, #tpu.memory_space<vmem>> -> memref<1x16x1024xf32, #tpu.memory_space<vmem>>
    %dma_wait3A_1052 = tpu.memref_squeeze %dma_wait3A_1051 : memref<1x16x1024xf32, #tpu.memory_space<vmem>> -> memref<16x1024xf32, #tpu.memory_space<vmem>>
    %dma_wait3A_1053 = arith.constant 0 : i32
    %dma_wait3A_1054 = tpu.memref_slice %arg3[%add3A_1046, %dma_wait3A_1053] : memref<8192x1024xf32, #tpu.memory_space<hbm>> -> memref<16x1024xf32, #tpu.memory_space<hbm>>
    %dma_wait3A_1055 = tpu.memref_slice %arg6[%dma_wait3A_1048] : memref<7x!tpu.dma_semaphore, #tpu.memory_space<semaphore_mem>> -> memref<1x!tpu.dma_semaphore, #tpu.memory_space<semaphore_mem>>
    %dma_wait3A_1056 = tpu.memref_squeeze %dma_wait3A_1055 : memref<1x!tpu.dma_semaphore, #tpu.memory_space<semaphore_mem>> -> memref<!tpu.dma_semaphore, #tpu.memory_space<semaphore_mem>>
    %dma_wait3A_1057 = arith.constant 0 : i32
    %dma_wait3A_1058 = tpu.memref_slice %arg3[%add3A_1046, %dma_wait3A_1057] : memref<8192x1024xf32, #tpu.memory_space<hbm>> -> memref<16x1024xf32, #tpu.memory_space<hbm>>
    %dma_wait3A_1059 = arith.constant 0 : i32
    %dma_wait3A_1060 = arith.constant 0 : i32
    %dma_wait3A_1061 = tpu.memref_slice %arg4[%dma_wait3A_1047, %dma_wait3A_1059, %dma_wait3A_1060] : memref<7x16x1024xf32, #tpu.memory_space<vmem>> -> memref<1x16x1024xf32, #tpu.memory_space<vmem>>
    %dma_wait3A_1062 = tpu.memref_squeeze %dma_wait3A_1061 : memref<1x16x1024xf32, #tpu.memory_space<vmem>> -> memref<16x1024xf32, #tpu.memory_space<vmem>>
    tpu.wait_dma2 semaphore(%dma_wait3A_1056 : memref<!tpu.dma_semaphore, #tpu.memory_space<semaphore_mem>>) src(%dma_wait3A_1062 : memref<16x1024xf32, #tpu.memory_space<vmem>>) dst(%dma_wait3A_1058 : memref<16x1024xf32, #tpu.memory_space<hbm>>)
    %add3A_1063 = arith.constant 176 : i32
    %add3A_1064 = arith.addi %mul3A_2, %add3A_1063 : i32
    %dma_wait3A_1065 = arith.constant 4 : i32
    %dma_wait3A_1066 = arith.constant 4 : i32
    %dma_wait3A_1067 = arith.constant 0 : i32
    %dma_wait3A_1068 = arith.constant 0 : i32
    %dma_wait3A_1069 = tpu.memref_slice %arg4[%dma_wait3A_1065, %dma_wait3A_1067, %dma_wait3A_1068] : memref<7x16x1024xf32, #tpu.memory_space<vmem>> -> memref<1x16x1024xf32, #tpu.memory_space<vmem>>
    %dma_wait3A_1070 = tpu.memref_squeeze %dma_wait3A_1069 : memref<1x16x1024xf32, #tpu.memory_space<vmem>> -> memref<16x1024xf32, #tpu.memory_space<vmem>>
    %dma_wait3A_1071 = arith.constant 0 : i32
    %dma_wait3A_1072 = tpu.memref_slice %arg3[%add3A_1064, %dma_wait3A_1071] : memref<8192x1024xf32, #tpu.memory_space<hbm>> -> memref<16x1024xf32, #tpu.memory_space<hbm>>
    %dma_wait3A_1073 = tpu.memref_slice %arg6[%dma_wait3A_1066] : memref<7x!tpu.dma_semaphore, #tpu.memory_space<semaphore_mem>> -> memref<1x!tpu.dma_semaphore, #tpu.memory_space<semaphore_mem>>
    %dma_wait3A_1074 = tpu.memref_squeeze %dma_wait3A_1073 : memref<1x!tpu.dma_semaphore, #tpu.memory_space<semaphore_mem>> -> memref<!tpu.dma_semaphore, #tpu.memory_space<semaphore_mem>>
    %dma_wait3A_1075 = arith.constant 0 : i32
    %dma_wait3A_1076 = tpu.memref_slice %arg3[%add3A_1064, %dma_wait3A_1075] : memref<8192x1024xf32, #tpu.memory_space<hbm>> -> memref<16x1024xf32, #tpu.memory_space<hbm>>
    %dma_wait3A_1077 = arith.constant 0 : i32
    %dma_wait3A_1078 = arith.constant 0 : i32
    %dma_wait3A_1079 = tpu.memref_slice %arg4[%dma_wait3A_1065, %dma_wait3A_1077, %dma_wait3A_1078] : memref<7x16x1024xf32, #tpu.memory_space<vmem>> -> memref<1x16x1024xf32, #tpu.memory_space<vmem>>
    %dma_wait3A_1080 = tpu.memref_squeeze %dma_wait3A_1079 : memref<1x16x1024xf32, #tpu.memory_space<vmem>> -> memref<16x1024xf32, #tpu.memory_space<vmem>>
    tpu.wait_dma2 semaphore(%dma_wait3A_1074 : memref<!tpu.dma_semaphore, #tpu.memory_space<semaphore_mem>>) src(%dma_wait3A_1080 : memref<16x1024xf32, #tpu.memory_space<vmem>>) dst(%dma_wait3A_1076 : memref<16x1024xf32, #tpu.memory_space<hbm>>)
    %add3A_1081 = arith.constant 192 : i32
    %add3A_1082 = arith.addi %mul3A_2, %add3A_1081 : i32
    %dma_wait3A_1083 = arith.constant 5 : i32
    %dma_wait3A_1084 = arith.constant 5 : i32
    %dma_wait3A_1085 = arith.constant 0 : i32
    %dma_wait3A_1086 = arith.constant 0 : i32
    %dma_wait3A_1087 = tpu.memref_slice %arg4[%dma_wait3A_1083, %dma_wait3A_1085, %dma_wait3A_1086] : memref<7x16x1024xf32, #tpu.memory_space<vmem>> -> memref<1x16x1024xf32, #tpu.memory_space<vmem>>
    %dma_wait3A_1088 = tpu.memref_squeeze %dma_wait3A_1087 : memref<1x16x1024xf32, #tpu.memory_space<vmem>> -> memref<16x1024xf32, #tpu.memory_space<vmem>>
    %dma_wait3A_1089 = arith.constant 0 : i32
    %dma_wait3A_1090 = tpu.memref_slice %arg3[%add3A_1082, %dma_wait3A_1089] : memref<8192x1024xf32, #tpu.memory_space<hbm>> -> memref<16x1024xf32, #tpu.memory_space<hbm>>
    %dma_wait3A_1091 = tpu.memref_slice %arg6[%dma_wait3A_1084] : memref<7x!tpu.dma_semaphore, #tpu.memory_space<semaphore_mem>> -> memref<1x!tpu.dma_semaphore, #tpu.memory_space<semaphore_mem>>
    %dma_wait3A_1092 = tpu.memref_squeeze %dma_wait3A_1091 : memref<1x!tpu.dma_semaphore, #tpu.memory_space<semaphore_mem>> -> memref<!tpu.dma_semaphore, #tpu.memory_space<semaphore_mem>>
    %dma_wait3A_1093 = arith.constant 0 : i32
    %dma_wait3A_1094 = tpu.memref_slice %arg3[%add3A_1082, %dma_wait3A_1093] : memref<8192x1024xf32, #tpu.memory_space<hbm>> -> memref<16x1024xf32, #tpu.memory_space<hbm>>
    %dma_wait3A_1095 = arith.constant 0 : i32
    %dma_wait3A_1096 = arith.constant 0 : i32
    %dma_wait3A_1097 = tpu.memref_slice %arg4[%dma_wait3A_1083, %dma_wait3A_1095, %dma_wait3A_1096] : memref<7x16x1024xf32, #tpu.memory_space<vmem>> -> memref<1x16x1024xf32, #tpu.memory_space<vmem>>
    %dma_wait3A_1098 = tpu.memref_squeeze %dma_wait3A_1097 : memref<1x16x1024xf32, #tpu.memory_space<vmem>> -> memref<16x1024xf32, #tpu.memory_space<vmem>>
    tpu.wait_dma2 semaphore(%dma_wait3A_1092 : memref<!tpu.dma_semaphore, #tpu.memory_space<semaphore_mem>>) src(%dma_wait3A_1098 : memref<16x1024xf32, #tpu.memory_space<vmem>>) dst(%dma_wait3A_1094 : memref<16x1024xf32, #tpu.memory_space<hbm>>)
    %add3A_1099 = arith.constant 208 : i32
    %add3A_1100 = arith.addi %mul3A_2, %add3A_1099 : i32
    %dma_wait3A_1101 = arith.constant 6 : i32
    %dma_wait3A_1102 = arith.constant 6 : i32
    %dma_wait3A_1103 = arith.constant 0 : i32
    %dma_wait3A_1104 = arith.constant 0 : i32
    %dma_wait3A_1105 = tpu.memref_slice %arg4[%dma_wait3A_1101, %dma_wait3A_1103, %dma_wait3A_1104] : memref<7x16x1024xf32, #tpu.memory_space<vmem>> -> memref<1x16x1024xf32, #tpu.memory_space<vmem>>
    %dma_wait3A_1106 = tpu.memref_squeeze %dma_wait3A_1105 : memref<1x16x1024xf32, #tpu.memory_space<vmem>> -> memref<16x1024xf32, #tpu.memory_space<vmem>>
    %dma_wait3A_1107 = arith.constant 0 : i32
    %dma_wait3A_1108 = tpu.memref_slice %arg3[%add3A_1100, %dma_wait3A_1107] : memref<8192x1024xf32, #tpu.memory_space<hbm>> -> memref<16x1024xf32, #tpu.memory_space<hbm>>
    %dma_wait3A_1109 = tpu.memref_slice %arg6[%dma_wait3A_1102] : memref<7x!tpu.dma_semaphore, #tpu.memory_space<semaphore_mem>> -> memref<1x!tpu.dma_semaphore, #tpu.memory_space<semaphore_mem>>
    %dma_wait3A_1110 = tpu.memref_squeeze %dma_wait3A_1109 : memref<1x!tpu.dma_semaphore, #tpu.memory_space<semaphore_mem>> -> memref<!tpu.dma_semaphore, #tpu.memory_space<semaphore_mem>>
    %dma_wait3A_1111 = arith.constant 0 : i32
    %dma_wait3A_1112 = tpu.memref_slice %arg3[%add3A_1100, %dma_wait3A_1111] : memref<8192x1024xf32, #tpu.memory_space<hbm>> -> memref<16x1024xf32, #tpu.memory_space<hbm>>
    %dma_wait3A_1113 = arith.constant 0 : i32
    %dma_wait3A_1114 = arith.constant 0 : i32
    %dma_wait3A_1115 = tpu.memref_slice %arg4[%dma_wait3A_1101, %dma_wait3A_1113, %dma_wait3A_1114] : memref<7x16x1024xf32, #tpu.memory_space<vmem>> -> memref<1x16x1024xf32, #tpu.memory_space<vmem>>
    %dma_wait3A_1116 = tpu.memref_squeeze %dma_wait3A_1115 : memref<1x16x1024xf32, #tpu.memory_space<vmem>> -> memref<16x1024xf32, #tpu.memory_space<vmem>>
    tpu.wait_dma2 semaphore(%dma_wait3A_1110 : memref<!tpu.dma_semaphore, #tpu.memory_space<semaphore_mem>>) src(%dma_wait3A_1116 : memref<16x1024xf32, #tpu.memory_space<vmem>>) dst(%dma_wait3A_1112 : memref<16x1024xf32, #tpu.memory_space<hbm>>)
    %add3A_1117 = arith.constant 224 : i32
    %add3A_1118 = arith.addi %mul3A_2, %add3A_1117 : i32
    %dma_wait3A_1119 = arith.constant 0 : i32
    %dma_wait3A_1120 = arith.constant 0 : i32
    %dma_wait3A_1121 = arith.constant 0 : i32
    %dma_wait3A_1122 = arith.constant 0 : i32
    %dma_wait3A_1123 = tpu.memref_slice %arg4[%dma_wait3A_1119, %dma_wait3A_1121, %dma_wait3A_1122] : memref<7x16x1024xf32, #tpu.memory_space<vmem>> -> memref<1x16x1024xf32, #tpu.memory_space<vmem>>
    %dma_wait3A_1124 = tpu.memref_squeeze %dma_wait3A_1123 : memref<1x16x1024xf32, #tpu.memory_space<vmem>> -> memref<16x1024xf32, #tpu.memory_space<vmem>>
    %dma_wait3A_1125 = arith.constant 0 : i32
    %dma_wait3A_1126 = tpu.memref_slice %arg3[%add3A_1118, %dma_wait3A_1125] : memref<8192x1024xf32, #tpu.memory_space<hbm>> -> memref<16x1024xf32, #tpu.memory_space<hbm>>
    %dma_wait3A_1127 = tpu.memref_slice %arg6[%dma_wait3A_1120] : memref<7x!tpu.dma_semaphore, #tpu.memory_space<semaphore_mem>> -> memref<1x!tpu.dma_semaphore, #tpu.memory_space<semaphore_mem>>
    %dma_wait3A_1128 = tpu.memref_squeeze %dma_wait3A_1127 : memref<1x!tpu.dma_semaphore, #tpu.memory_space<semaphore_mem>> -> memref<!tpu.dma_semaphore, #tpu.memory_space<semaphore_mem>>
    %dma_wait3A_1129 = arith.constant 0 : i32
    %dma_wait3A_1130 = tpu.memref_slice %arg3[%add3A_1118, %dma_wait3A_1129] : memref<8192x1024xf32, #tpu.memory_space<hbm>> -> memref<16x1024xf32, #tpu.memory_space<hbm>>
    %dma_wait3A_1131 = arith.constant 0 : i32
    %dma_wait3A_1132 = arith.constant 0 : i32
    %dma_wait3A_1133 = tpu.memref_slice %arg4[%dma_wait3A_1119, %dma_wait3A_1131, %dma_wait3A_1132] : memref<7x16x1024xf32, #tpu.memory_space<vmem>> -> memref<1x16x1024xf32, #tpu.memory_space<vmem>>
    %dma_wait3A_1134 = tpu.memref_squeeze %dma_wait3A_1133 : memref<1x16x1024xf32, #tpu.memory_space<vmem>> -> memref<16x1024xf32, #tpu.memory_space<vmem>>
    tpu.wait_dma2 semaphore(%dma_wait3A_1128 : memref<!tpu.dma_semaphore, #tpu.memory_space<semaphore_mem>>) src(%dma_wait3A_1134 : memref<16x1024xf32, #tpu.memory_space<vmem>>) dst(%dma_wait3A_1130 : memref<16x1024xf32, #tpu.memory_space<hbm>>)
    %add3A_1135 = arith.constant 240 : i32
    %add3A_1136 = arith.addi %mul3A_2, %add3A_1135 : i32
    %dma_wait3A_1137 = arith.constant 1 : i32
    %dma_wait3A_1138 = arith.constant 1 : i32
    %dma_wait3A_1139 = arith.constant 0 : i32
    %dma_wait3A_1140 = arith.constant 0 : i32
    %dma_wait3A_1141 = tpu.memref_slice %arg4[%dma_wait3A_1137, %dma_wait3A_1139, %dma_wait3A_1140] : memref<7x16x1024xf32, #tpu.memory_space<vmem>> -> memref<1x16x1024xf32, #tpu.memory_space<vmem>>
    %dma_wait3A_1142 = tpu.memref_squeeze %dma_wait3A_1141 : memref<1x16x1024xf32, #tpu.memory_space<vmem>> -> memref<16x1024xf32, #tpu.memory_space<vmem>>
    %dma_wait3A_1143 = arith.constant 0 : i32
    %dma_wait3A_1144 = tpu.memref_slice %arg3[%add3A_1136, %dma_wait3A_1143] : memref<8192x1024xf32, #tpu.memory_space<hbm>> -> memref<16x1024xf32, #tpu.memory_space<hbm>>
    %dma_wait3A_1145 = tpu.memref_slice %arg6[%dma_wait3A_1138] : memref<7x!tpu.dma_semaphore, #tpu.memory_space<semaphore_mem>> -> memref<1x!tpu.dma_semaphore, #tpu.memory_space<semaphore_mem>>
    %dma_wait3A_1146 = tpu.memref_squeeze %dma_wait3A_1145 : memref<1x!tpu.dma_semaphore, #tpu.memory_space<semaphore_mem>> -> memref<!tpu.dma_semaphore, #tpu.memory_space<semaphore_mem>>
    %dma_wait3A_1147 = arith.constant 0 : i32
    %dma_wait3A_1148 = tpu.memref_slice %arg3[%add3A_1136, %dma_wait3A_1147] : memref<8192x1024xf32, #tpu.memory_space<hbm>> -> memref<16x1024xf32, #tpu.memory_space<hbm>>
    %dma_wait3A_1149 = arith.constant 0 : i32
    %dma_wait3A_1150 = arith.constant 0 : i32
    %dma_wait3A_1151 = tpu.memref_slice %arg4[%dma_wait3A_1137, %dma_wait3A_1149, %dma_wait3A_1150] : memref<7x16x1024xf32, #tpu.memory_space<vmem>> -> memref<1x16x1024xf32, #tpu.memory_space<vmem>>
    %dma_wait3A_1152 = tpu.memref_squeeze %dma_wait3A_1151 : memref<1x16x1024xf32, #tpu.memory_space<vmem>> -> memref<16x1024xf32, #tpu.memory_space<vmem>>
    tpu.wait_dma2 semaphore(%dma_wait3A_1146 : memref<!tpu.dma_semaphore, #tpu.memory_space<semaphore_mem>>) src(%dma_wait3A_1152 : memref<16x1024xf32, #tpu.memory_space<vmem>>) dst(%dma_wait3A_1148 : memref<16x1024xf32, #tpu.memory_space<hbm>>)
    return
  }
}

</mosaic_0001>

<sc_bundles>
// kernel: kernel.3.cloned.1.call-start
scs
__scs_entry_jumppad:
0x0: {  	(pc) =	sbr.rel $0x88, $3  }
0x1: {  	(tag) =	ssettag $0x0;
	lr =	simm.s32 $0x1  }
0x2: {  	[smem:$0x3FA0] =	sst lr;
	_ =	strace $0xD0000000  }
0x3: {  	_ = 	snop  }
0x4: {  	_ = 	snop  }
0x5: {  	_ = 	snop  }
0x6: {  	_ = 	snop  }
0x7: {  	_ = 	snop  }
__scs_overlays_trampoline_lowered:
0x8: {  	[smem:$0x3FAF] =	sst s0  }
0x9: {  	[smem:$0x3FB0] =	sst s1  }
0xa: {  	[smem:$0x3FB1] =	sst s2  }
0xb: {  	[smem:$0x3FB2] =	sst s3  }
0xc: {  	[smem:$0x3FB3] =	sst s4  }
0xd: {  	[smem:$0x3FB4] =	sst s5  }
0xe: {  	[smem:$0x3FB5] =	sst s6  }
0xf: {  	[smem:$0x3FB6] =	sst s7  }
0x10: {  	[smem:$0x3FB7] =	sst s8  }
0x11: {  	[smem:$0x3FB8] =	sst s9;
	s0 =	simm.s32 @!p0 $0x0  }
0x12: {  	s1 =	sld [smem:$0x3F9E];
	s0 =	simm.s32 @p0 $0x1  }
0x13: {  	[smem:$0x3FB9] =	sst s0;
	s0 =	simm.s32 @!p1 $0x0  }
0x14: {  	s2 =	sld [smem:$0x3F9D];
	s0 =	simm.s32 @p1 $0x1  }
0x15: {  	[smem:$0x3FBA] =	sst s0;
	s0 =	simm.s32 @!p2 $0x0  }
0x16: {  	s3 =	sld [smem:$0x3FDB];
	s0 =	simm.s32 @p2 $0x1  }
0x17: {  	s4 =	simm.s32 $0x1BF5;
	[smem:$0x3FBC] =	sst s0  }
0x18: {  	s0 =	sld [smem:$0x3F9F];
	_ =	swait.ge [sflag:s4], $0x0  }
0x19: {  	s7 =	sld [smem:$0x3FA0]  }
0x1a: {  	s8 =	sadd.s32 $0xFFFFE003, lr  }
0x1b: {  	s9 =	sadd.s32 $0xFFFFFEF7, lr;
	s5 =	simm.s32 $0xFFFFFFFF;
	p2 =	slt.u32 s8, $0xFFFFF086  }
0x1c: {  	p1 =	slt.u32 s9, $0xF7A;
	s5 =	simm.s32 @!p2 $0x0  }
0x1d: {  	s5 =	simm.s32 @p1 $0x1;
	p0 =	seq.s32 s7, s2  }
0x1e: {  	s7 =	smul.u32 @!p0 $0xF7A, s2;
	p2 =	seq.s32 @!p0 s5, $0x0  }
0x1f: {  	s9 =	smul.u32 $0xF7A, s1;
	s8 =	simm.s32 @!p0 $0x1BF5;
	p2 =	por !p2, p0  }
0x20: {  	[sflag:s8] =	ssyncset.s32 @!p0 $0xFFFFF086;
	s6 =	sadd.s32 @!p0 s3, s7;
	s7 =	simm.s32 @!p0 $0x108  }
0x21: {  	s3 =	sadd.s32 s3, s9;
	s6 =	sadd.s32 @!p0 $0x88, s6;
	s7 =	simm.s32 @p2 $0x1082  }
0x22: {  	[simem:s7], [sflag:s8] =	dma.local @!p0 [hbm:s6], $0xF7A  }
0x23: {  	s9 =	sor.u32 $0xD0000000, s2;
	s6 =	simm.s32 $0x108;
	_ =	swait.ge @!p0 [sflag:s8], $0x0  }
0x24: {  	s3 =	sadd.s32 $0x88, s3;
	s6 =	simm.s32 @!p1 $0x1082;
	[sflag:s4] =	ssyncset.s32 $0xFFFFF086  }
0x25: {  	[simem:s6], [sflag:s4] =	dma.local [hbm:s3], $0xF7A  }
0x26: {  	[smem:$0x3FA0] =	sst s1;
	(tag) =	ssettag s2;
	_ =	strace s9  }
0x27: {  	s1 =	sld [smem:$0x3FB0]  }
0x28: {  	s2 =	sld [smem:$0x3FB1]  }
0x29: {  	s4 =	sld [smem:$0x3FB3]  }
0x2a: {  	p0 =	seq.s32 s5, $0x0;
	s5 =	sld [smem:$0x3FB4]  }
0x2b: {  	s6 =	sld [smem:$0x3FB5]  }
0x2c: {  	s7 =	sld [smem:$0x3FB6]  }
0x2d: {  	s3 =	simm.s32 $0x108;
	s8 =	sld [smem:$0x3FB7]  }
0x2e: {  	s3 =	simm.s32 @!p0 $0x1082;
	s9 =	sld [smem:$0x3FB8]  }
0x2f: {  	lr =	sadd.s32 s0, s3;
	s0 =	sld [smem:$0x3FAF]  }
0x30: {  	s3 =	sld [smem:$0x3FB2]  }
0x31: {  	[smem:$0x3FBB] =	sst s10  }
0x32: {  	s10 =	sld [smem:$0x3FB9];
	_ =	sdelay $0x3  }
0x33: {  	p0 =	seq.s32 s10, $0x1;
	s10 =	sld [smem:$0x3FBB];
	_ =	sdelay $0x3  }
0x34: {  	[smem:$0x3FBB] =	sst s10  }
0x35: {  	s10 =	sld [smem:$0x3FBA];
	_ =	sdelay $0x3  }
0x36: {  	p1 =	seq.s32 s10, $0x1;
	s10 =	sld [smem:$0x3FBB];
	_ =	sdelay $0x3  }
0x37: {  	[smem:$0x3FBB] =	sst s10  }
0x38: {  	s10 =	sld [smem:$0x3FBC]  }
0x39: {  	_ = 	snop;
	(pc) =	sbr.ind lr, $3  }
0x3a: {  	_ = 	snop  }
0x3b: {  	_ = 	snop  }
0x3c: {  	p2 =	seq.s32 s10, $0x1;
	s10 =	sld [smem:$0x3FBB]  }
0x3d: {  	_ =	shalt  }
0x3e: {  	_ =	shalt  }
0x3f: {  	_ =	shalt  }
0x40: {  	_ =	shalt  }
0x41: {  	_ =	shalt  }
0x42: {  	_ =	shalt  }
0x43: {  	_ =	shalt  }
0x44: {  	_ =	shalt  }
0x45: {  	_ =	shalt  }
0x46: {  	_ =	shalt  }
0x47: {  	_ =	shalt  }
0x48: {  	_ =	shalt  }
0x49: {  	_ =	shalt  }
0x4a: {  	_ =	shalt  }
0x4b: {  	_ =	shalt  }
0x4c: {  	_ =	shalt  }
0x4d: {  	_ =	shalt  }
0x4e: {  	_ =	shalt  }
0x4f: {  	_ =	shalt  }
0x50: {  	_ =	shalt  }
0x51: {  	_ =	shalt  }
0x52: {  	_ =	shalt  }
0x53: {  	_ =	shalt  }
0x54: {  	_ =	shalt  }
0x55: {  	_ =	shalt  }
0x56: {  	_ =	shalt  }
0x57: {  	_ =	shalt  }
0x58: {  	_ =	shalt  }
0x59: {  	_ =	shalt  }
0x5a: {  	_ =	shalt  }
0x5b: {  	_ =	shalt  }
0x5c: {  	_ =	shalt  }
0x5d: {  	_ =	shalt  }
0x5e: {  	_ =	shalt  }
0x5f: {  	_ =	shalt  }
0x60: {  	_ =	shalt  }
0x61: {  	_ =	shalt  }
0x62: {  	_ =	shalt  }
0x63: {  	_ =	shalt  }
0x64: {  	_ =	shalt  }
0x65: {  	_ =	shalt  }
0x66: {  	_ =	shalt  }
0x67: {  	_ =	shalt  }
0x68: {  	_ =	shalt  }
0x69: {  	_ =	shalt  }
0x6a: {  	_ =	shalt  }
0x6b: {  	_ =	shalt  }
0x6c: {  	_ =	shalt  }
0x6d: {  	_ =	shalt  }
0x6e: {  	_ =	shalt  }
0x6f: {  	_ =	shalt  }
0x70: {  	_ =	shalt  }
0x71: {  	_ =	shalt  }
0x72: {  	_ =	shalt  }
0x73: {  	_ =	shalt  }
0x74: {  	_ =	shalt  }
0x75: {  	_ =	shalt  }
0x76: {  	_ =	shalt  }
0x77: {  	_ =	shalt  }
0x78: {  	_ =	shalt  }
0x79: {  	_ =	shalt  }
0x7a: {  	_ =	shalt  }
0x7b: {  	_ =	shalt  }
0x7c: {  	_ =	shalt  }
0x7d: {  	_ =	shalt  }
0x7e: {  	_ =	shalt  }
0x7f: {  	_ =	shalt  }
0x80: {  	_ =	shalt  }
0x81: {  	_ =	shalt  }
0x82: {  	_ =	shalt  }
0x83: {  	_ =	shalt  }
0x84: {  	_ =	shalt  }
0x85: {  	_ =	shalt  }
0x86: {  	_ =	shalt  }
0x87: {  	_ =	shalt  }
.Lfunc_end0:
.L_simem_size_0:
called_computation_lowered:
.L_overlay_start_0:
0x88: {  	s2 =	sld [smem:$0x3FD9]  }
0x89: {  	s3 =	sld [smem:$0x3FFE];
	_ =	sdelay $0x1  }
0x8a: {  	s1 =	srdreg.scid  }
0x8b: {  	s0 =	sand.u32 $0x1, s1  }
0x8c: {  	s18 =	sshll.u32 s0, $0xA;
	s2 =	sadd.s32 s3, s2  }
0x8d: {  	s2 =	sadd.s32 s2, s18  }
0x8e: {  	[smem:$0x3FC7] =	sst s2  }
0x8f: {  	_ = 	snop  }
0x90: {  	s2 =	sld [smem:$0x3FC9]  }
0x91: {  	s19 =	sld [smem:$0x3FD0];
	(tm) =	ssettm $0x1  }
0x92: {  	s4 =	sld [smem:$0x3FFB];
	_ =	sdelay $0x3  }
0x93: {  	_ =	strace s4  }
0x94: {  	s4 =	sld [smem:$0x3FFC];
	_ =	sdelay $0x3  }
0x95: {  	_ =	strace s4  }
0x96: {  	s4 =	sld [smem:$0x3FFD];
	_ =	sdelay $0x3  }
0x97: {  	_ =	strace s4  }
0x98: {  	_ =	strace $0x8FFFFFFF  }
0x99: {  	s20 =	sld [smem:$0x3FDB];
	_ =	sdelay $0x1  }
0x9a: {  	s5 =	simm.s32 $_scs_section_size  }
0x9b: {  	s6 =	simm.s32 $_size__tile_overlayer_lowered;
	s7 =	simm.s32 $_tile_overlayer_lowered  }
0x9c: {  	s23 =	simm.s32 $0x1BFF;
	s22 =	sshll.u32 s7, $0x1;
	s4 =	sadd.s32 s5, s20  }
0x9d: {  	s8 =	simm.s32 $0x0;
	s21 =	sshll.u32 s6, $0x1;
	s6 =	sadd.s32 s22, s4  }
0x9e: {  	[timem:s8], [sflag:s23] =	dma.local [hbm:s6], s21  }
0x9f: {  	_ =	swait.ge [sflag:s23], s21  }
0xa0: {  	s5 =	ssub.s32 $0x0, s21;
	[sflag:s23] =	ssyncset.done $0x0  }
0xa1: {  	[sflag:s23] =	ssyncadd.s32 s5;
	_ =	sdelay $0x1  }
0xa2: {  	s24 =	simm.s32 $0x1B8B  }
0xa3: {  	_ =	swait.ge [sflag:s24], $0x1  }
0xa4: {  	[sflag:s24] =	ssyncset.done $0x0  }
0xa5: {  	s25 =	simm.s32 $0x1B8E;
	[sflag:s24] =	ssyncadd.s32 $0xFFFFFFFF  }
0xa6: {  	s26 =	simm.s32 $execute0_lowered;
	[smem:$0x3FD2] =	sst s25  }
0xa7: {  	s5 =	sshll.u32 s26, $0x1;
	_ =	strace $0x80000046;
	[dreg:$0x1] =	wrdreg $0xFFFFFFFF  }
0xa8: {  	s28 =	simm.s32 $_size_execute0_lowered;
	s4 =	sadd.s32 s4, s5;
	[dreg:$0x0] =	wrdreg $0x0  }
0xa9: {  	s5 =	sshll.u32 s28, $0x1;
	[dreg:$0x2] =	wrdreg s4  }
0xaa: {  	[dreg:$0x3] =	wrdreg s5  }
0xab: {  	[dreg:$0x4] =	wrdreg $0xC0  }
0xac: {  	_ =	task [dreg:s8], $0x5FFFF  }
0xad: {  	[dreg:$0x1] =	wrdreg $0xFFFFFFFF  }
0xae: {  	[dreg:$0x0] =	wrdreg $0x60  }
0xaf: {  	[dreg:$0x2] =	wrdreg s2  }
0xb0: {  	[dreg:$0x3] =	wrdreg s19  }
0xb1: {  	[dreg:$0x4] =	wrdreg $0x9  }
0xb2: {  	_ =	task.clear_ibuf [dreg:s8], $0x5FFFF;
	_ =	strace $0x90000046  }
0xb3: {  	s29 =	simm.s32 $0x9;
	_ =	strace $0x80000048  }
0xb4: {  	_ =	swait.ge [sflag:s29], $0x1  }
0xb5: {  	[sflag:s29] =	ssyncadd.s32 $0xFFFFFFFF  }
0xb6: {  	_ =	strace $0x90000048  }
0xb7: {  	_ =	sfence  }
0xb8: {  	s30 =	sld [smem:$0x0];
	_ =	sdelay $0x2  }
0xb9: {  	s31 =	sshll.u32 s1, $0xD;
	s1 =	sshrl.u32 s1, $0x2  }
0xba: {  	s3 =	sand.u32 $0x4000, s31;
	s1 =	sadd.s32 s1, s30  }
0xbb: {  	s0 =	sor.u32 s3, s0;
	s1 =	sshll.u32 s1, $0x11  }
0xbc: {  	s0 =	sor.u32 s1, s0  }
0xbd: {  	s0 =	sadd.s32 $0x8F2B, s0  }
0xbe: {  	[sflag:s0] =	ssyncadd.remote.s32 $0x1  }
0xbf: {  	_ =	sfence.sel $0xFFFF  }
0xc0: {  	[dreg:$0x0] =	wrdreg $0xFFFFFFFF;
	(pc) =	sbr.abs _section_cstart, $3  }
0xc1: {  	[dreg:$0x1] =	wrdreg $0xFFFFFFFF  }
0xc2: {  	_ =	task.clear_ibuf [dreg:s8], $0x2FFFF;
	_ =	strace $0x9FFFFFFF  }
0xc3: {  	(tm) =	ssettm $0x7FFFFFFF  }
tec
execute0_lowered:
.L_overlay_start_1:
0x0: {  	(tag) =	ssettag $0x1  }
0x1: {  	s3 =	rddreg [dreg:$0x0]  }
0x2: {  	s0 =	rddreg [dreg:$0x1];
	s1 =	srdreg.scid  }
0x3: {  	s4 =	stileid.u32;
	s2 =	simm.s32 $0x0;
	s1 =	sand.u32 $0x1, s1  }
0x4: {  	s30 =	simm.s32 $0x8000;
	s4 =	sshll.u32 s4, $0x10;
	s5 =	sshll.u32 s1, $0xF  }
0x5: {  	s31 =	simm.s32 $0x3;
	[smem:$0x7FF] =	sst s2;
	s4 =	sor.u32 s5, s4  }
0x6: {  	s29 =	simm.s32 $0x4;
	_ =	strace $0x80000047;
	s5 =	sadd.s32 s3, s4  }
0x7: {  	s6 =	sor.u32 $0x800, s4;
	s26 =	sadd.s32 s0, s4;
	[dreg:$0x3] =	wrdreg s5  }
0x8: {  	s7 =	sor.u32 $0x1000, s4;
	s24 =	sadd.s32 s3, s6;
	[dreg:$0x6] =	wrdreg s26  }
0x9: {  	s8 =	sor.u32 $0x1800, s4;
	s25 =	sadd.s32 s3, s7;
	[dreg:$0x4] =	wrdreg s24  }
0xa: {  	s28 =	simm.s32 $0x5;
	s9 =	sadd.s32 s3, s8;
	[dreg:$0x5] =	wrdreg s25  }
0xb: {  	s11 =	sor.u32 $0x2000, s4;
	s10 =	sadd.s32 s0, s6;
	[dreg:$0x7] =	wrdreg s9  }
0xc: {  	p0 =	por $0x0, $0x0;
	s12 =	sadd.s32 s3, s11;
	[dreg:$0x8] =	wrdreg s10  }
0xd: {  	s14 =	sor.u32 $0x2800, s4;
	s13 =	sadd.s32 s0, s7;
	[dreg:$0x9] =	wrdreg s12  }
0xe: {  	s1 =	ssub.s32 $0x2, s1;
	s15 =	sadd.s32 s3, s14;
	[dreg:$0xa] =	wrdreg s13  }
0xf: {  	s17 =	sor.u32 $0x3000, s4;
	s16 =	sadd.s32 s0, s8;
	[dreg:$0xb] =	wrdreg s15  }
0x10: {  	s20 =	sor.u32 $0x3800, s4;
	s18 =	sadd.s32 s3, s17;
	[dreg:$0xc] =	wrdreg s16  }
0x11: {  	s23 =	sor.u32 $0x4000, s4;
	s19 =	sadd.s32 s0, s11;
	[dreg:$0xd] =	wrdreg s18  }
0x12: {  	s21 =	sadd.s32 s3, s20;
	s22 =	sadd.s32 s0, s14;
	[dreg:$0xe] =	wrdreg s19  }
0x13: {  	s26 =	sor.u32 $0x4800, s4;
	s11 =	sor.u32 $0x5000, s4;
	[dreg:$0xf] =	wrdreg s21  }
0x14: {  	s14 =	sor.u32 $0x5800, s4;
	[dreg:$0x10] =	wrdreg s22;
	s24 =	sadd.s32 s3, s23  }
0x15: {  	s6 =	simm.s32 $0x4000;
	s25 =	sadd.s32 s0, s17;
	[dreg:$0x11] =	wrdreg s24  }
0x16: {  	s9 =	sadd.s32 s3, s26;
	s10 =	sadd.s32 s0, s20;
	[dreg:$0x12] =	wrdreg s25  }
0x17: {  	s12 =	sadd.s32 s3, s11;
	s13 =	sadd.s32 s0, s23;
	[dreg:$0x13] =	wrdreg s9  }
0x18: {  	s15 =	sadd.s32 s3, s14;
	s16 =	sadd.s32 s0, s26;
	[dreg:$0x14] =	wrdreg s10  }
0x19: {  	s17 =	sor.u32 $0x6000, s4;
	s20 =	sadd.s32 s0, s11;
	[dreg:$0x15] =	wrdreg s12  }
0x1a: {  	s21 =	sor.u32 $0x6800, s4;
	s22 =	sor.u32 $0x7000, s4;
	[dreg:$0x16] =	wrdreg s13  }
0x1b: {  	s18 =	sadd.s32 s0, s14;
	s4 =	sor.u32 $0x7800, s4;
	[dreg:$0x17] =	wrdreg s15  }
0x1c: {  	s11 =	simm.s32 $0x1;
	s26 =	simm.s32 $0xC000;
	[dreg:$0x18] =	wrdreg s16  }
0x1d: {  	s9 =	sshrl.u32 s1, $0x1;
	s19 =	sadd.s32 s3, s17;
	[dreg:$0x1a] =	wrdreg s20  }
0x1e: {  	s20 =	sadd.s32 s3, s21;
	s16 =	sadd.s32 s3, s22;
	s14 =	sadd.s32 s0, s17  }
0x1f: {  	s10 =	sadd.s32 s3, s4;
	s8 =	sadd.s32 s0, s21;
	s1 =	ssub.s32 s1, s9  }
0x20: {  	s7 =	sadd.s32 s0, s22;
	s5 =	sadd.s32 s0, s4;
	s23 =	smax.u32 s1, $0x1  }
0x21: {  	s24 =	simm.s32 $0x10000;
	s22 =	simm.s32 $0x14000;
	p1 =	sne.s32 s23, $0x1  }
.Ltmp0:
0x22: {  	s21 =	simm.s32 $0x18000;
	s4 =	simm.s32 $0x8;
	(pc) =	sbr.rel @!p1 .LBB2_3-.Ltmp0, $4  }
0x23: {  	s25 =	simm.s32 $0x6;
	s3 =	simm.s32 $0x9;
	s17 =	simm.s32 $0xB  }
0x24: {  	s15 =	simm.s32 $0xC;
	s13 =	simm.s32 $0xD;
	s12 =	simm.s32 $0xE  }
0x25: {  	[dreg:$0x19] =	wrdreg s19;
	s9 =	simm.s32 $0x2;
	s19 =	simm.s32 $0xA  }
0x26: {  	s1 =	rddreg [dreg:$0x3];
	s0 =	sadd.s32 $0xFFFFFFFF, s23;
	s23 =	simm.s32 $0x7  }
0x27: {  	[dreg:$0x1b] =	wrdreg s0  }
0x28: {  	[tilespmem:s2], [sflag:$0x1] =	stream.linear.gather [hbm4b:s1+s2], $0x4000, $0x38;
	[tilespmem:$0x1C000] =	vst v63  }
0x29: {  	s0 =	rddreg [dreg:$0x4]  }
0x2a: {  	[tilespmem:s6], [sflag:$0x2] =	stream.linear.gather [hbm4b:s0+s2], $0x4000, $0x38;
	[tilespmem:$0x1C000] =	vst v63  }
0x2b: {  	s1 =	rddreg [dreg:$0x5]  }
0x2c: {  	[tilespmem:s30], [sflag:$0x3] =	stream.linear.gather [hbm4b:s1+s2], $0x4000, $0x38;
	[tilespmem:$0x1C000] =	vst v63  }
0x2d: {  	_ =	swait.ge [sflag:s11], $0x4000  }
0x2e: {  	[sflag:s11] =	ssyncset.done $0x0  }
0x2f: {  	s0 =	rddreg [dreg:$0x6];
	[sflag:s11] =	ssyncadd.s32 $0xFFFFC000  }
0x30: {  	[hbm4b:s0+s2] =	stream.linear.scatter [tilespmem:s2], [sflag:$0x8], $0x4000, $0x38;
	[tilespmem:$0x1C000] =	vst v63  }
0x31: {  	s1 =	rddreg [dreg:$0x7]  }
0x32: {  	[tilespmem:s26], [sflag:$0x4] =	stream.linear.gather [hbm4b:s1+s2], $0x4000, $0x38;
	[tilespmem:$0x1C000] =	vst v63  }
0x33: {  	_ =	swait.ge [sflag:s9], $0x4000  }
0x34: {  	[sflag:s9] =	ssyncset.done $0x0  }
0x35: {  	s0 =	rddreg [dreg:$0x8];
	[sflag:s9] =	ssyncadd.s32 $0xFFFFC000  }
0x36: {  	[hbm4b:s0+s2] =	stream.linear.scatter [tilespmem:s6], [sflag:$0x9], $0x4000, $0x38;
	[tilespmem:$0x1C000] =	vst v63  }
0x37: {  	s1 =	rddreg [dreg:$0x9]  }
0x38: {  	[tilespmem:s24], [sflag:$0x5] =	stream.linear.gather [hbm4b:s1+s2], $0x4000, $0x38;
	[tilespmem:$0x1C000] =	vst v63  }
0x39: {  	_ =	swait.ge [sflag:s31], $0x4000  }
0x3a: {  	[sflag:s31] =	ssyncset.done $0x0  }
0x3b: {  	s0 =	rddreg [dreg:$0xa];
	[sflag:s31] =	ssyncadd.s32 $0xFFFFC000  }
0x3c: {  	[hbm4b:s0+s2] =	stream.linear.scatter [tilespmem:s30], [sflag:$0xA], $0x4000, $0x38;
	[tilespmem:$0x1C000] =	vst v63  }
0x3d: {  	s1 =	rddreg [dreg:$0xb]  }
0x3e: {  	[tilespmem:s22], [sflag:$0x6] =	stream.linear.gather [hbm4b:s1+s2], $0x4000, $0x38;
	[tilespmem:$0x1C000] =	vst v63  }
0x3f: {  	_ =	swait.ge [sflag:s29], $0x4000  }
0x40: {  	[sflag:s29] =	ssyncset.done $0x0  }
0x41: {  	s0 =	rddreg [dreg:$0xc];
	[sflag:s29] =	ssyncadd.s32 $0xFFFFC000  }
0x42: {  	[hbm4b:s0+s2] =	stream.linear.scatter [tilespmem:s26], [sflag:$0xB], $0x4000, $0x38;
	[tilespmem:$0x1C000] =	vst v63  }
0x43: {  	s1 =	rddreg [dreg:$0xd]  }
0x44: {  	[tilespmem:s21], [sflag:$0x7] =	stream.linear.gather [hbm4b:s1+s2], $0x4000, $0x38;
	[tilespmem:$0x1C000] =	vst v63  }
0x45: {  	_ =	swait.ge [sflag:s28], $0x4000  }
0x46: {  	[sflag:s28] =	ssyncset.done $0x0  }
0x47: {  	s1 =	rddreg [dreg:$0xe];
	[sflag:s28] =	ssyncadd.s32 $0xFFFFC000  }
0x48: {  	[hbm4b:s1+s2] =	stream.linear.scatter [tilespmem:s24], [sflag:$0xC], $0x4000, $0x38;
	[tilespmem:$0x1C000] =	vst v63  }
0x49: {  	_ =	swait.ge [sflag:s4], $0x4000  }
0x4a: {  	[sflag:s4] =	ssyncset.done $0x0  }
0x4b: {  	s1 =	rddreg [dreg:$0xf];
	[sflag:s4] =	ssyncadd.s32 $0xFFFFC000  }
0x4c: {  	[tilespmem:s2], [sflag:$0x1] =	stream.linear.gather [hbm4b:s1+s2], $0x4000, $0x38;
	[tilespmem:$0x1C000] =	vst v63  }
0x4d: {  	_ =	swait.ge [sflag:s25], $0x4000  }
0x4e: {  	[sflag:s25] =	ssyncset.done $0x0  }
0x4f: {  	s1 =	rddreg [dreg:$0x10];
	[sflag:s25] =	ssyncadd.s32 $0xFFFFC000  }
0x50: {  	[hbm4b:s1+s2] =	stream.linear.scatter [tilespmem:s22], [sflag:$0xD], $0x4000, $0x38;
	[tilespmem:$0x1C000] =	vst v63  }
0x51: {  	_ =	swait.ge [sflag:s3], $0x4000  }
0x52: {  	[sflag:s3] =	ssyncset.done $0x0  }
0x53: {  	s1 =	rddreg [dreg:$0x11];
	[sflag:s3] =	ssyncadd.s32 $0xFFFFC000  }
0x54: {  	[tilespmem:s6], [sflag:$0x2] =	stream.linear.gather [hbm4b:s1+s2], $0x4000, $0x38;
	[tilespmem:$0x1C000] =	vst v63  }
0x55: {  	_ =	swait.ge [sflag:s23], $0x4000  }
0x56: {  	[sflag:s23] =	ssyncset.done $0x0  }
0x57: {  	s1 =	rddreg [dreg:$0x12];
	[sflag:s23] =	ssyncadd.s32 $0xFFFFC000  }
0x58: {  	[hbm4b:s1+s2] =	stream.linear.scatter [tilespmem:s21], [sflag:$0xE], $0x4000, $0x38;
	[tilespmem:$0x1C000] =	vst v63  }
0x59: {  	_ =	swait.ge [sflag:s19], $0x4000  }
0x5a: {  	[sflag:s19] =	ssyncset.done $0x0  }
0x5b: {  	s1 =	rddreg [dreg:$0x13];
	[sflag:s19] =	ssyncadd.s32 $0xFFFFC000  }
0x5c: {  	[tilespmem:s30], [sflag:$0x3] =	stream.linear.gather [hbm4b:s1+s2], $0x4000, $0x38;
	[tilespmem:$0x1C000] =	vst v63  }
0x5d: {  	_ =	swait.ge [sflag:s11], $0x4000  }
0x5e: {  	[sflag:s11] =	ssyncset.done $0x0  }
0x5f: {  	s1 =	rddreg [dreg:$0x14];
	[sflag:s11] =	ssyncadd.s32 $0xFFFFC000  }
0x60: {  	[hbm4b:s1+s2] =	stream.linear.scatter [tilespmem:s2], [sflag:$0x8], $0x4000, $0x38;
	[tilespmem:$0x1C000] =	vst v63  }
0x61: {  	_ =	swait.ge [sflag:s17], $0x4000  }
0x62: {  	[sflag:s17] =	ssyncset.done $0x0  }
0x63: {  	s1 =	rddreg [dreg:$0x15];
	[sflag:s17] =	ssyncadd.s32 $0xFFFFC000  }
0x64: {  	[tilespmem:s26], [sflag:$0x4] =	stream.linear.gather [hbm4b:s1+s2], $0x4000, $0x38;
	[tilespmem:$0x1C000] =	vst v63  }
0x65: {  	_ =	swait.ge [sflag:s9], $0x4000  }
0x66: {  	[sflag:s9] =	ssyncset.done $0x0  }
0x67: {  	s1 =	rddreg [dreg:$0x16];
	[sflag:s9] =	ssyncadd.s32 $0xFFFFC000  }
0x68: {  	[hbm4b:s1+s2] =	stream.linear.scatter [tilespmem:s6], [sflag:$0x9], $0x4000, $0x38;
	[tilespmem:$0x1C000] =	vst v63  }
0x69: {  	_ =	swait.ge [sflag:s15], $0x4000  }
0x6a: {  	[sflag:s15] =	ssyncset.done $0x0  }
0x6b: {  	s1 =	rddreg [dreg:$0x17];
	[sflag:s15] =	ssyncadd.s32 $0xFFFFC000  }
0x6c: {  	[tilespmem:s24], [sflag:$0x5] =	stream.linear.gather [hbm4b:s1+s2], $0x4000, $0x38;
	[tilespmem:$0x1C000] =	vst v63  }
0x6d: {  	_ =	swait.ge [sflag:s31], $0x4000  }
0x6e: {  	[sflag:s31] =	ssyncset.done $0x0  }
0x6f: {  	s1 =	rddreg [dreg:$0x18];
	[sflag:s31] =	ssyncadd.s32 $0xFFFFC000  }
0x70: {  	[hbm4b:s1+s2] =	stream.linear.scatter [tilespmem:s30], [sflag:$0xA], $0x4000, $0x38;
	[tilespmem:$0x1C000] =	vst v63  }
0x71: {  	_ =	swait.ge [sflag:s13], $0x4000  }
0x72: {  	[sflag:s13] =	ssyncset.done $0x0  }
0x73: {  	s1 =	rddreg [dreg:$0x19];
	[sflag:s13] =	ssyncadd.s32 $0xFFFFC000  }
0x74: {  	[tilespmem:s22], [sflag:$0x6] =	stream.linear.gather [hbm4b:s1+s2], $0x4000, $0x38;
	[tilespmem:$0x1C000] =	vst v63  }
0x75: {  	_ =	swait.ge [sflag:s29], $0x4000  }
0x76: {  	[sflag:s29] =	ssyncset.done $0x0  }
0x77: {  	s1 =	rddreg [dreg:$0x1a];
	[sflag:s29] =	ssyncadd.s32 $0xFFFFC000  }
0x78: {  	[hbm4b:s1+s2] =	stream.linear.scatter [tilespmem:s26], [sflag:$0xB], $0x4000, $0x38;
	[tilespmem:$0x1C000] =	vst v63  }
0x79: {  	_ =	swait.ge [sflag:s12], $0x4000  }
0x7a: {  	[sflag:s12] =	ssyncset.done $0x0  }
0x7b: {  	[sflag:s12] =	ssyncadd.s32 $0xFFFFC000  }
0x7c: {  	[tilespmem:s21], [sflag:$0x7] =	stream.linear.gather [hbm4b:s20+s2], $0x4000, $0x38;
	[tilespmem:$0x1C000] =	vst v63  }
0x7d: {  	_ =	swait.ge [sflag:s28], $0x4000  }
0x7e: {  	[sflag:s28] =	ssyncset.done $0x0  }
0x7f: {  	[sflag:s28] =	ssyncadd.s32 $0xFFFFC000  }
0x80: {  	[hbm4b:s18+s2] =	stream.linear.scatter [tilespmem:s24], [sflag:$0xC], $0x4000, $0x38;
	[tilespmem:$0x1C000] =	vst v63  }
0x81: {  	_ =	swait.ge [sflag:s4], $0x4000  }
0x82: {  	[sflag:s4] =	ssyncset.done $0x0  }
0x83: {  	[sflag:s4] =	ssyncadd.s32 $0xFFFFC000  }
0x84: {  	[tilespmem:s2], [sflag:$0x1] =	stream.linear.gather [hbm4b:s16+s2], $0x4000, $0x38;
	[tilespmem:$0x1C000] =	vst v63  }
0x85: {  	_ =	swait.ge [sflag:s25], $0x4000  }
0x86: {  	[sflag:s25] =	ssyncset.done $0x0  }
0x87: {  	[sflag:s25] =	ssyncadd.s32 $0xFFFFC000  }
0x88: {  	[hbm4b:s14+s2] =	stream.linear.scatter [tilespmem:s22], [sflag:$0xD], $0x4000, $0x38;
	[tilespmem:$0x1C000] =	vst v63  }
0x89: {  	_ =	swait.ge [sflag:s3], $0x4000  }
0x8a: {  	[sflag:s3] =	ssyncset.done $0x0  }
0x8b: {  	[sflag:s3] =	ssyncadd.s32 $0xFFFFC000  }
0x8c: {  	[tilespmem:s6], [sflag:$0x2] =	stream.linear.gather [hbm4b:s10+s2], $0x4000, $0x38;
	[tilespmem:$0x1C000] =	vst v63  }
0x8d: {  	_ =	swait.ge [sflag:s23], $0x4000  }
0x8e: {  	[sflag:s23] =	ssyncset.done $0x0  }
0x8f: {  	[sflag:s23] =	ssyncadd.s32 $0xFFFFC000  }
0x90: {  	[hbm4b:s8+s2] =	stream.linear.scatter [tilespmem:s21], [sflag:$0xE], $0x4000, $0x38;
	[tilespmem:$0x1C000] =	vst v63  }
0x91: {  	_ =	swait.ge [sflag:s11], $0x4000  }
0x92: {  	[sflag:s11] =	ssyncset.done $0x0  }
0x93: {  	[sflag:s11] =	ssyncadd.s32 $0xFFFFC000  }
0x94: {  	[hbm4b:s7+s2] =	stream.linear.scatter [tilespmem:s2], [sflag:$0x8], $0x4000, $0x38;
	[tilespmem:$0x1C000] =	vst v63  }
0x95: {  	_ =	swait.ge [sflag:s9], $0x4000  }
0x96: {  	[sflag:s9] =	ssyncset.done $0x0  }
0x97: {  	[sflag:s9] =	ssyncadd.s32 $0xFFFFC000  }
0x98: {  	[hbm4b:s5+s2] =	stream.linear.scatter [tilespmem:s6], [sflag:$0x9], $0x4000, $0x38;
	[tilespmem:$0x1C000] =	vst v63  }
0x99: {  	_ =	swait.ge [sflag:s19], $0x4000  }
0x9a: {  	[sflag:s19] =	ssyncset.done $0x0  }
0x9b: {  	[sflag:s19] =	ssyncadd.s32 $0xFFFFC000  }
0x9c: {  	_ =	swait.ge [sflag:s17], $0x4000  }
0x9d: {  	[sflag:s17] =	ssyncset.done $0x0  }
0x9e: {  	[sflag:s17] =	ssyncadd.s32 $0xFFFFC000  }
0x9f: {  	_ =	swait.ge [sflag:s15], $0x4000  }
0xa0: {  	[sflag:s15] =	ssyncset.done $0x0  }
0xa1: {  	[sflag:s15] =	ssyncadd.s32 $0xFFFFC000  }
0xa2: {  	_ =	swait.ge [sflag:s13], $0x4000  }
0xa3: {  	[sflag:s13] =	ssyncset.done $0x0  }
0xa4: {  	[sflag:s13] =	ssyncadd.s32 $0xFFFFC000  }
0xa5: {  	_ =	swait.ge [sflag:s12], $0x4000  }
0xa6: {  	[sflag:s12] =	ssyncset.done $0x0  }
0xa7: {  	[sflag:s12] =	ssyncadd.s32 $0xFFFFC000  }
0xa8: {  	_ =	swait.ge [sflag:s4], $0x4000  }
0xa9: {  	s1 =	rddreg [dreg:$0x1b]  }
0xaa: {  	p1 =	sne.s32 s1, $0x1  }
.Ltmp1:
0xab: {  	_ = 	snop;
	(pc) =	sbr.rel @!p1 .LBB2_3-.Ltmp1, $4  }
0xac: {  	[sflag:s4] =	ssyncset.done $0x0  }
0xad: {  	[sflag:s4] =	ssyncadd.s32 $0xFFFFC000  }
0xae: {  	p0 =	por $0x1, $0x1;
	_ =	swait.ge [sflag:s3], $0x4000  }
0xaf: {  	s0 =	sadd.s32 $0xFFFFFFFF, s1;
	s1 =	rddreg [dreg:$0x3];
	[sflag:s3] =	ssyncset.done $0x0  }
.LBB2_2:
0xb0: {  	[sflag:s3] =	ssyncadd.s32 $0xFFFFC000;
	s12 =	simm.s32 $0x4000  }
0xb1: {  	s21 =	smov.u32 s20;
	s20 =	smov.u32 s18;
	s18 =	smov.u32 s16  }
0xb2: {  	s16 =	smov.u32 s14;
	s14 =	smov.u32 s10;
	s10 =	smov.u32 s8  }
0xb3: {  	[tilespmem:s2], [sflag:$0x1] =	stream.linear.gather [hbm4b:s1+s2], $0x4000, $0x38;
	[tilespmem:$0x1C000] =	vst v63  }
0xb4: {  	s8 =	smov.u32 s7;
	s7 =	smov.u32 s5;
	s5 =	rddreg [dreg:$0x4]  }
0xb5: {  	[tilespmem:s12], [sflag:$0x2] =	stream.linear.gather [hbm4b:s5+s2], $0x4000, $0x38;
	[tilespmem:$0x1C000] =	vst v63  }
0xb6: {  	s6 =	simm.s32 $0x8000;
	s1 =	rddreg [dreg:$0x5]  }
0xb7: {  	[tilespmem:s6], [sflag:$0x3] =	stream.linear.gather [hbm4b:s1+s2], $0x4000, $0x38;
	[tilespmem:$0x1C000] =	vst v63  }
0xb8: {  	_ =	swait.ge [sflag:s11], $0x4000  }
0xb9: {  	[sflag:s11] =	ssyncset.done $0x0  }
0xba: {  	s1 =	rddreg [dreg:$0x6];
	[sflag:s11] =	ssyncadd.s32 $0xFFFFC000  }
0xbb: {  	[hbm4b:s1+s2] =	stream.linear.scatter [tilespmem:s2], [sflag:$0x8], $0x4000, $0x38;
	[tilespmem:$0x1C000] =	vst v63  }
0xbc: {  	s30 =	simm.s32 $0xC000;
	s5 =	rddreg [dreg:$0x7]  }
0xbd: {  	[tilespmem:s30], [sflag:$0x4] =	stream.linear.gather [hbm4b:s5+s2], $0x4000, $0x38;
	[tilespmem:$0x1C000] =	vst v63  }
0xbe: {  	_ =	swait.ge [sflag:s9], $0x4000  }
0xbf: {  	[sflag:s9] =	ssyncset.done $0x0  }
0xc0: {  	s6 =	simm.s32 $0x4000;
	s1 =	rddreg [dreg:$0x8];
	[sflag:s9] =	ssyncadd.s32 $0xFFFFC000  }
0xc1: {  	[hbm4b:s1+s2] =	stream.linear.scatter [tilespmem:s6], [sflag:$0x9], $0x4000, $0x38;
	[tilespmem:$0x1C000] =	vst v63  }
0xc2: {  	s26 =	simm.s32 $0x10000;
	s5 =	rddreg [dreg:$0x9]  }
0xc3: {  	[tilespmem:s26], [sflag:$0x5] =	stream.linear.gather [hbm4b:s5+s2], $0x4000, $0x38;
	[tilespmem:$0x1C000] =	vst v63  }
0xc4: {  	_ =	swait.ge [sflag:s31], $0x4000  }
0xc5: {  	[sflag:s31] =	ssyncset.done $0x0  }
0xc6: {  	s30 =	simm.s32 $0x8000;
	s1 =	rddreg [dreg:$0xa];
	[sflag:s31] =	ssyncadd.s32 $0xFFFFC000  }
0xc7: {  	[hbm4b:s1+s2] =	stream.linear.scatter [tilespmem:s30], [sflag:$0xA], $0x4000, $0x38;
	[tilespmem:$0x1C000] =	vst v63  }
0xc8: {  	s24 =	simm.s32 $0x14000;
	s5 =	rddreg [dreg:$0xb]  }
0xc9: {  	[tilespmem:s24], [sflag:$0x6] =	stream.linear.gather [hbm4b:s5+s2], $0x4000, $0x38;
	[tilespmem:$0x1C000] =	vst v63  }
0xca: {  	_ =	swait.ge [sflag:s29], $0x4000  }
0xcb: {  	[sflag:s29] =	ssyncset.done $0x0  }
0xcc: {  	s26 =	simm.s32 $0xC000;
	s1 =	rddreg [dreg:$0xc];
	[sflag:s29] =	ssyncadd.s32 $0xFFFFC000  }
0xcd: {  	[hbm4b:s1+s2] =	stream.linear.scatter [tilespmem:s26], [sflag:$0xB], $0x4000, $0x38;
	[tilespmem:$0x1C000] =	vst v63  }
0xce: {  	s22 =	simm.s32 $0x18000;
	s5 =	rddreg [dreg:$0xd]  }
0xcf: {  	[tilespmem:s22], [sflag:$0x7] =	stream.linear.gather [hbm4b:s5+s2], $0x4000, $0x38;
	[tilespmem:$0x1C000] =	vst v63  }
0xd0: {  	_ =	swait.ge [sflag:s28], $0x4000  }
0xd1: {  	[sflag:s28] =	ssyncset.done $0x0  }
0xd2: {  	s24 =	simm.s32 $0x10000;
	s1 =	rddreg [dreg:$0xe];
	[sflag:s28] =	ssyncadd.s32 $0xFFFFC000  }
0xd3: {  	[hbm4b:s1+s2] =	stream.linear.scatter [tilespmem:s24], [sflag:$0xC], $0x4000, $0x38;
	[tilespmem:$0x1C000] =	vst v63  }
0xd4: {  	_ =	swait.ge [sflag:s4], $0x4000  }
0xd5: {  	[sflag:s4] =	ssyncset.done $0x0  }
0xd6: {  	s1 =	rddreg [dreg:$0xf];
	[sflag:s4] =	ssyncadd.s32 $0xFFFFC000  }
0xd7: {  	[tilespmem:s2], [sflag:$0x1] =	stream.linear.gather [hbm4b:s1+s2], $0x4000, $0x38;
	[tilespmem:$0x1C000] =	vst v63  }
0xd8: {  	_ =	swait.ge [sflag:s25], $0x4000  }
0xd9: {  	[sflag:s25] =	ssyncset.done $0x0  }
0xda: {  	s22 =	simm.s32 $0x14000;
	s1 =	rddreg [dreg:$0x10];
	[sflag:s25] =	ssyncadd.s32 $0xFFFFC000  }
0xdb: {  	[hbm4b:s1+s2] =	stream.linear.scatter [tilespmem:s22], [sflag:$0xD], $0x4000, $0x38;
	[tilespmem:$0x1C000] =	vst v63  }
0xdc: {  	s5 =	smov.u32 s7;
	_ =	swait.ge [sflag:s3], $0x4000  }
0xdd: {  	s7 =	smov.u32 s8;
	s8 =	smov.u32 s10;
	[sflag:s3] =	ssyncset.done $0x0  }
0xde: {  	s10 =	smov.u32 s14;
	s1 =	rddreg [dreg:$0x11];
	[sflag:s3] =	ssyncadd.s32 $0xFFFFC000  }
0xdf: {  	[tilespmem:s6], [sflag:$0x2] =	stream.linear.gather [hbm4b:s1+s2], $0x4000, $0x38;
	[tilespmem:$0x1C000] =	vst v63  }
0xe0: {  	s14 =	smov.u32 s16;
	s16 =	smov.u32 s18;
	_ =	swait.ge [sflag:s23], $0x4000  }
0xe1: {  	s18 =	smov.u32 s20;
	s20 =	smov.u32 s21;
	[sflag:s23] =	ssyncset.done $0x0  }
0xe2: {  	s21 =	simm.s32 $0x18000;
	s1 =	rddreg [dreg:$0x12];
	[sflag:s23] =	ssyncadd.s32 $0xFFFFC000  }
0xe3: {  	[hbm4b:s1+s2] =	stream.linear.scatter [tilespmem:s21], [sflag:$0xE], $0x4000, $0x38;
	[tilespmem:$0x1C000] =	vst v63  }
0xe4: {  	_ =	swait.ge [sflag:s19], $0x4000  }
0xe5: {  	[sflag:s19] =	ssyncset.done $0x0  }
0xe6: {  	s1 =	rddreg [dreg:$0x13];
	[sflag:s19] =	ssyncadd.s32 $0xFFFFC000  }
0xe7: {  	[tilespmem:s30], [sflag:$0x3] =	stream.linear.gather [hbm4b:s1+s2], $0x4000, $0x38;
	[tilespmem:$0x1C000] =	vst v63  }
0xe8: {  	_ =	swait.ge [sflag:s11], $0x4000  }
0xe9: {  	[sflag:s11] =	ssyncset.done $0x0  }
0xea: {  	s1 =	rddreg [dreg:$0x14];
	[sflag:s11] =	ssyncadd.s32 $0xFFFFC000  }
0xeb: {  	[hbm4b:s1+s2] =	stream.linear.scatter [tilespmem:s2], [sflag:$0x8], $0x4000, $0x38;
	[tilespmem:$0x1C000] =	vst v63  }
0xec: {  	_ =	swait.ge [sflag:s17], $0x4000  }
0xed: {  	[sflag:s17] =	ssyncset.done $0x0  }
0xee: {  	s1 =	rddreg [dreg:$0x15];
	[sflag:s17] =	ssyncadd.s32 $0xFFFFC000  }
0xef: {  	[tilespmem:s26], [sflag:$0x4] =	stream.linear.gather [hbm4b:s1+s2], $0x4000, $0x38;
	[tilespmem:$0x1C000] =	vst v63  }
0xf0: {  	_ =	swait.ge [sflag:s9], $0x4000  }
0xf1: {  	[sflag:s9] =	ssyncset.done $0x0  }
0xf2: {  	s1 =	rddreg [dreg:$0x16];
	[sflag:s9] =	ssyncadd.s32 $0xFFFFC000  }
0xf3: {  	[hbm4b:s1+s2] =	stream.linear.scatter [tilespmem:s6], [sflag:$0x9], $0x4000, $0x38;
	[tilespmem:$0x1C000] =	vst v63  }
0xf4: {  	_ =	swait.ge [sflag:s15], $0x4000  }
0xf5: {  	[sflag:s15] =	ssyncset.done $0x0  }
0xf6: {  	s1 =	rddreg [dreg:$0x17];
	[sflag:s15] =	ssyncadd.s32 $0xFFFFC000  }
0xf7: {  	[tilespmem:s24], [sflag:$0x5] =	stream.linear.gather [hbm4b:s1+s2], $0x4000, $0x38;
	[tilespmem:$0x1C000] =	vst v63  }
0xf8: {  	_ =	swait.ge [sflag:s31], $0x4000  }
0xf9: {  	[sflag:s31] =	ssyncset.done $0x0  }
0xfa: {  	s1 =	rddreg [dreg:$0x18];
	[sflag:s31] =	ssyncadd.s32 $0xFFFFC000  }
0xfb: {  	[hbm4b:s1+s2] =	stream.linear.scatter [tilespmem:s30], [sflag:$0xA], $0x4000, $0x38;
	[tilespmem:$0x1C000] =	vst v63  }
0xfc: {  	_ =	swait.ge [sflag:s13], $0x4000  }
0xfd: {  	[sflag:s13] =	ssyncset.done $0x0  }
0xfe: {  	s1 =	rddreg [dreg:$0x19];
	[sflag:s13] =	ssyncadd.s32 $0xFFFFC000  }
0xff: {  	[tilespmem:s22], [sflag:$0x6] =	stream.linear.gather [hbm4b:s1+s2], $0x4000, $0x38;
	[tilespmem:$0x1C000] =	vst v63  }
0x100: {  	_ =	swait.ge [sflag:s29], $0x4000  }
0x101: {  	[sflag:s29] =	ssyncset.done $0x0  }
0x102: {  	s12 =	simm.s32 $0xE;
	s1 =	rddreg [dreg:$0x1a];
	[sflag:s29] =	ssyncadd.s32 $0xFFFFC000  }
0x103: {  	[hbm4b:s1+s2] =	stream.linear.scatter [tilespmem:s26], [sflag:$0xB], $0x4000, $0x38;
	[tilespmem:$0x1C000] =	vst v63  }
0x104: {  	_ =	swait.ge [sflag:s12], $0x4000  }
0x105: {  	[sflag:s12] =	ssyncset.done $0x0  }
0x106: {  	[sflag:s12] =	ssyncadd.s32 $0xFFFFC000  }
0x107: {  	[tilespmem:s21], [sflag:$0x7] =	stream.linear.gather [hbm4b:s20+s2], $0x4000, $0x38;
	[tilespmem:$0x1C000] =	vst v63  }
0x108: {  	_ =	swait.ge [sflag:s28], $0x4000  }
0x109: {  	[sflag:s28] =	ssyncset.done $0x0  }
0x10a: {  	[sflag:s28] =	ssyncadd.s32 $0xFFFFC000  }
0x10b: {  	[hbm4b:s18+s2] =	stream.linear.scatter [tilespmem:s24], [sflag:$0xC], $0x4000, $0x38;
	[tilespmem:$0x1C000] =	vst v63  }
0x10c: {  	_ =	swait.ge [sflag:s4], $0x4000  }
0x10d: {  	[sflag:s4] =	ssyncset.done $0x0  }
0x10e: {  	[sflag:s4] =	ssyncadd.s32 $0xFFFFC000  }
0x10f: {  	[tilespmem:s2], [sflag:$0x1] =	stream.linear.gather [hbm4b:s16+s2], $0x4000, $0x38;
	[tilespmem:$0x1C000] =	vst v63  }
0x110: {  	_ =	swait.ge [sflag:s25], $0x4000  }
0x111: {  	[sflag:s25] =	ssyncset.done $0x0  }
0x112: {  	[sflag:s25] =	ssyncadd.s32 $0xFFFFC000  }
0x113: {  	[hbm4b:s14+s2] =	stream.linear.scatter [tilespmem:s22], [sflag:$0xD], $0x4000, $0x38;
	[tilespmem:$0x1C000] =	vst v63  }
0x114: {  	_ =	swait.ge [sflag:s3], $0x4000  }
0x115: {  	[sflag:s3] =	ssyncset.done $0x0  }
0x116: {  	[sflag:s3] =	ssyncadd.s32 $0xFFFFC000  }
0x117: {  	[tilespmem:s6], [sflag:$0x2] =	stream.linear.gather [hbm4b:s10+s2], $0x4000, $0x38;
	[tilespmem:$0x1C000] =	vst v63  }
0x118: {  	_ =	swait.ge [sflag:s23], $0x4000  }
0x119: {  	[sflag:s23] =	ssyncset.done $0x0  }
0x11a: {  	[sflag:s23] =	ssyncadd.s32 $0xFFFFC000  }
0x11b: {  	[hbm4b:s8+s2] =	stream.linear.scatter [tilespmem:s21], [sflag:$0xE], $0x4000, $0x38;
	[tilespmem:$0x1C000] =	vst v63  }
0x11c: {  	_ =	swait.ge [sflag:s11], $0x4000  }
0x11d: {  	[sflag:s11] =	ssyncset.done $0x0  }
0x11e: {  	[sflag:s11] =	ssyncadd.s32 $0xFFFFC000  }
0x11f: {  	[hbm4b:s7+s2] =	stream.linear.scatter [tilespmem:s2], [sflag:$0x8], $0x4000, $0x38;
	[tilespmem:$0x1C000] =	vst v63  }
0x120: {  	_ =	swait.ge [sflag:s9], $0x4000  }
0x121: {  	[sflag:s9] =	ssyncset.done $0x0  }
0x122: {  	[sflag:s9] =	ssyncadd.s32 $0xFFFFC000  }
0x123: {  	[hbm4b:s5+s2] =	stream.linear.scatter [tilespmem:s6], [sflag:$0x9], $0x4000, $0x38;
	[tilespmem:$0x1C000] =	vst v63  }
0x124: {  	_ =	swait.ge [sflag:s19], $0x4000  }
0x125: {  	[sflag:s19] =	ssyncset.done $0x0  }
0x126: {  	[sflag:s19] =	ssyncadd.s32 $0xFFFFC000  }
0x127: {  	_ =	swait.ge [sflag:s17], $0x4000  }
0x128: {  	[sflag:s17] =	ssyncset.done $0x0  }
0x129: {  	[sflag:s17] =	ssyncadd.s32 $0xFFFFC000  }
0x12a: {  	_ =	swait.ge [sflag:s15], $0x4000  }
0x12b: {  	[sflag:s15] =	ssyncset.done $0x0  }
0x12c: {  	[sflag:s15] =	ssyncadd.s32 $0xFFFFC000  }
0x12d: {  	_ =	swait.ge [sflag:s13], $0x4000  }
0x12e: {  	[sflag:s13] =	ssyncset.done $0x0  }
0x12f: {  	[sflag:s13] =	ssyncadd.s32 $0xFFFFC000  }
0x130: {  	_ =	swait.ge [sflag:s12], $0x4000  }
0x131: {  	[sflag:s12] =	ssyncset.done $0x0  }
0x132: {  	p1 =	sne.s32 s0, $0x1;
	[sflag:s12] =	ssyncadd.s32 $0xFFFFC000  }
.Ltmp2:
0x133: {  	_ =	swait.ge [sflag:s4], $0x4000;
	(pc) =	sbr.rel @p1 .LBB2_2-.Ltmp2, $4  }
0x134: {  	[sflag:s4] =	ssyncset.done $0x0  }
0x135: {  	[sflag:s4] =	ssyncadd.s32 $0xFFFFC000  }
0x136: {  	_ =	swait.ge [sflag:s3], $0x4000  }
0x137: {  	s0 =	sadd.s32 $0xFFFFFFFF, s0;
	s1 =	rddreg [dreg:$0x3];
	[sflag:s3] =	ssyncset.done $0x0  }
.LBB2_3:
0x138: {  	[sflag:s3] =	ssyncadd.s32 @p0 $0xFFFFC000  }
0x139: {  	[tilespmem:s2], [sflag:$0x1] =	stream.linear.gather [hbm4b:s1+s2], $0x4000, $0x38;
	[tilespmem:$0x1C000] =	vst v63  }
0x13a: {  	s0 =	rddreg [dreg:$0x4]  }
0x13b: {  	[tilespmem:s6], [sflag:$0x2] =	stream.linear.gather [hbm4b:s0+s2], $0x4000, $0x38;
	[tilespmem:$0x1C000] =	vst v63  }
0x13c: {  	s1 =	rddreg [dreg:$0x5]  }
0x13d: {  	[tilespmem:s30], [sflag:$0x3] =	stream.linear.gather [hbm4b:s1+s2], $0x4000, $0x38;
	[tilespmem:$0x1C000] =	vst v63  }
0x13e: {  	_ =	swait.ge [sflag:s11], $0x4000  }
0x13f: {  	[sflag:s11] =	ssyncset.done $0x0  }
0x140: {  	s0 =	rddreg [dreg:$0x6];
	[sflag:s11] =	ssyncadd.s32 $0xFFFFC000  }
0x141: {  	[hbm4b:s0+s2] =	stream.linear.scatter [tilespmem:s2], [sflag:$0x8], $0x4000, $0x38;
	[tilespmem:$0x1C000] =	vst v63  }
0x142: {  	s1 =	rddreg [dreg:$0x7]  }
0x143: {  	[tilespmem:s26], [sflag:$0x4] =	stream.linear.gather [hbm4b:s1+s2], $0x4000, $0x38;
	[tilespmem:$0x1C000] =	vst v63  }
0x144: {  	_ =	swait.ge [sflag:s9], $0x4000  }
0x145: {  	[sflag:s9] =	ssyncset.done $0x0  }
0x146: {  	s0 =	rddreg [dreg:$0x8];
	[sflag:s9] =	ssyncadd.s32 $0xFFFFC000  }
0x147: {  	[hbm4b:s0+s2] =	stream.linear.scatter [tilespmem:s6], [sflag:$0x9], $0x4000, $0x38;
	[tilespmem:$0x1C000] =	vst v63  }
0x148: {  	s1 =	rddreg [dreg:$0x9]  }
0x149: {  	[tilespmem:s24], [sflag:$0x5] =	stream.linear.gather [hbm4b:s1+s2], $0x4000, $0x38;
	[tilespmem:$0x1C000] =	vst v63  }
0x14a: {  	_ =	swait.ge [sflag:s31], $0x4000  }
0x14b: {  	[sflag:s31] =	ssyncset.done $0x0  }
0x14c: {  	s0 =	rddreg [dreg:$0xa];
	[sflag:s31] =	ssyncadd.s32 $0xFFFFC000  }
0x14d: {  	[hbm4b:s0+s2] =	stream.linear.scatter [tilespmem:s30], [sflag:$0xA], $0x4000, $0x38;
	[tilespmem:$0x1C000] =	vst v63  }
0x14e: {  	s1 =	rddreg [dreg:$0xb]  }
0x14f: {  	[tilespmem:s22], [sflag:$0x6] =	stream.linear.gather [hbm4b:s1+s2], $0x4000, $0x38;
	[tilespmem:$0x1C000] =	vst v63  }
0x150: {  	_ =	swait.ge [sflag:s29], $0x4000  }
0x151: {  	[sflag:s29] =	ssyncset.done $0x0  }
0x152: {  	s0 =	rddreg [dreg:$0xc];
	[sflag:s29] =	ssyncadd.s32 $0xFFFFC000  }
0x153: {  	[hbm4b:s0+s2] =	stream.linear.scatter [tilespmem:s26], [sflag:$0xB], $0x4000, $0x38;
	[tilespmem:$0x1C000] =	vst v63  }
0x154: {  	s1 =	rddreg [dreg:$0xd]  }
0x155: {  	[tilespmem:s21], [sflag:$0x7] =	stream.linear.gather [hbm4b:s1+s2], $0x4000, $0x38;
	[tilespmem:$0x1C000] =	vst v63  }
0x156: {  	_ =	swait.ge [sflag:s28], $0x4000  }
0x157: {  	[sflag:s28] =	ssyncset.done $0x0  }
0x158: {  	s1 =	rddreg [dreg:$0xe];
	[sflag:s28] =	ssyncadd.s32 $0xFFFFC000  }
0x159: {  	[hbm4b:s1+s2] =	stream.linear.scatter [tilespmem:s24], [sflag:$0xC], $0x4000, $0x38;
	[tilespmem:$0x1C000] =	vst v63  }
0x15a: {  	_ =	swait.ge [sflag:s4], $0x4000  }
0x15b: {  	[sflag:s4] =	ssyncset.done $0x0  }
0x15c: {  	s1 =	rddreg [dreg:$0xf];
	[sflag:s4] =	ssyncadd.s32 $0xFFFFC000  }
0x15d: {  	[tilespmem:s2], [sflag:$0x1] =	stream.linear.gather [hbm4b:s1+s2], $0x4000, $0x38;
	[tilespmem:$0x1C000] =	vst v63  }
0x15e: {  	_ =	swait.ge [sflag:s25], $0x4000  }
0x15f: {  	[sflag:s25] =	ssyncset.done $0x0  }
0x160: {  	s1 =	rddreg [dreg:$0x10];
	[sflag:s25] =	ssyncadd.s32 $0xFFFFC000  }
0x161: {  	[hbm4b:s1+s2] =	stream.linear.scatter [tilespmem:s22], [sflag:$0xD], $0x4000, $0x38;
	[tilespmem:$0x1C000] =	vst v63  }
0x162: {  	_ =	swait.ge [sflag:s3], $0x4000  }
0x163: {  	[sflag:s3] =	ssyncset.done $0x0  }
0x164: {  	s1 =	rddreg [dreg:$0x11];
	[sflag:s3] =	ssyncadd.s32 $0xFFFFC000  }
0x165: {  	[tilespmem:s6], [sflag:$0x2] =	stream.linear.gather [hbm4b:s1+s2], $0x4000, $0x38;
	[tilespmem:$0x1C000] =	vst v63  }
0x166: {  	_ =	swait.ge [sflag:s23], $0x4000  }
0x167: {  	[sflag:s23] =	ssyncset.done $0x0  }
0x168: {  	s1 =	rddreg [dreg:$0x12];
	[sflag:s23] =	ssyncadd.s32 $0xFFFFC000  }
0x169: {  	[hbm4b:s1+s2] =	stream.linear.scatter [tilespmem:s21], [sflag:$0xE], $0x4000, $0x38;
	[tilespmem:$0x1C000] =	vst v63  }
0x16a: {  	_ =	swait.ge [sflag:s19], $0x4000  }
0x16b: {  	[sflag:s19] =	ssyncset.done $0x0  }
0x16c: {  	s1 =	rddreg [dreg:$0x13];
	[sflag:s19] =	ssyncadd.s32 $0xFFFFC000  }
0x16d: {  	[tilespmem:s30], [sflag:$0x3] =	stream.linear.gather [hbm4b:s1+s2], $0x4000, $0x38;
	[tilespmem:$0x1C000] =	vst v63  }
0x16e: {  	_ =	swait.ge [sflag:s11], $0x4000  }
0x16f: {  	[sflag:s11] =	ssyncset.done $0x0  }
0x170: {  	s1 =	rddreg [dreg:$0x14];
	[sflag:s11] =	ssyncadd.s32 $0xFFFFC000  }
0x171: {  	[hbm4b:s1+s2] =	stream.linear.scatter [tilespmem:s2], [sflag:$0x8], $0x4000, $0x38;
	[tilespmem:$0x1C000] =	vst v63  }
0x172: {  	_ =	swait.ge [sflag:s17], $0x4000  }
0x173: {  	[sflag:s17] =	ssyncset.done $0x0  }
0x174: {  	s1 =	rddreg [dreg:$0x15];
	[sflag:s17] =	ssyncadd.s32 $0xFFFFC000  }
0x175: {  	[tilespmem:s26], [sflag:$0x4] =	stream.linear.gather [hbm4b:s1+s2], $0x4000, $0x38;
	[tilespmem:$0x1C000] =	vst v63  }
0x176: {  	_ =	swait.ge [sflag:s9], $0x4000  }
0x177: {  	[sflag:s9] =	ssyncset.done $0x0  }
0x178: {  	s1 =	rddreg [dreg:$0x16];
	[sflag:s9] =	ssyncadd.s32 $0xFFFFC000  }
0x179: {  	[hbm4b:s1+s2] =	stream.linear.scatter [tilespmem:s6], [sflag:$0x9], $0x4000, $0x38;
	[tilespmem:$0x1C000] =	vst v63  }
0x17a: {  	_ =	swait.ge [sflag:s15], $0x4000  }
0x17b: {  	[sflag:s15] =	ssyncset.done $0x0  }
0x17c: {  	s1 =	rddreg [dreg:$0x17];
	[sflag:s15] =	ssyncadd.s32 $0xFFFFC000  }
0x17d: {  	[tilespmem:s24], [sflag:$0x5] =	stream.linear.gather [hbm4b:s1+s2], $0x4000, $0x38;
	[tilespmem:$0x1C000] =	vst v63  }
0x17e: {  	_ =	swait.ge [sflag:s31], $0x4000  }
0x17f: {  	[sflag:s31] =	ssyncset.done $0x0  }
0x180: {  	s1 =	rddreg [dreg:$0x18];
	[sflag:s31] =	ssyncadd.s32 $0xFFFFC000  }
0x181: {  	[hbm4b:s1+s2] =	stream.linear.scatter [tilespmem:s30], [sflag:$0xA], $0x4000, $0x38;
	[tilespmem:$0x1C000] =	vst v63  }
0x182: {  	_ =	swait.ge [sflag:s13], $0x4000  }
0x183: {  	[sflag:s13] =	ssyncset.done $0x0  }
0x184: {  	s1 =	rddreg [dreg:$0x19];
	[sflag:s13] =	ssyncadd.s32 $0xFFFFC000  }
0x185: {  	[tilespmem:s22], [sflag:$0x6] =	stream.linear.gather [hbm4b:s1+s2], $0x4000, $0x38;
	[tilespmem:$0x1C000] =	vst v63  }
0x186: {  	_ =	swait.ge [sflag:s29], $0x4000  }
0x187: {  	[sflag:s29] =	ssyncset.done $0x0  }
0x188: {  	s30 =	rddreg [dreg:$0x1a];
	[sflag:s29] =	ssyncadd.s32 $0xFFFFC000  }
0x189: {  	[hbm4b:s30+s2] =	stream.linear.scatter [tilespmem:s26], [sflag:$0xB], $0x4000, $0x38;
	[tilespmem:$0x1C000] =	vst v63  }
0x18a: {  	_ =	swait.ge [sflag:s12], $0x4000  }
0x18b: {  	[sflag:s12] =	ssyncset.done $0x0  }
0x18c: {  	[sflag:s12] =	ssyncadd.s32 $0xFFFFC000  }
0x18d: {  	[tilespmem:s21], [sflag:$0x7] =	stream.linear.gather [hbm4b:s20+s2], $0x4000, $0x38;
	[tilespmem:$0x1C000] =	vst v63  }
0x18e: {  	_ =	swait.ge [sflag:s28], $0x4000  }
0x18f: {  	[sflag:s28] =	ssyncset.done $0x0  }
0x190: {  	[sflag:s28] =	ssyncadd.s32 $0xFFFFC000  }
0x191: {  	[hbm4b:s18+s2] =	stream.linear.scatter [tilespmem:s24], [sflag:$0xC], $0x4000, $0x38;
	[tilespmem:$0x1C000] =	vst v63  }
0x192: {  	_ =	swait.ge [sflag:s4], $0x4000  }
0x193: {  	[sflag:s4] =	ssyncset.done $0x0  }
0x194: {  	[sflag:s4] =	ssyncadd.s32 $0xFFFFC000  }
0x195: {  	[tilespmem:s2], [sflag:$0x1] =	stream.linear.gather [hbm4b:s16+s2], $0x4000, $0x38;
	[tilespmem:$0x1C000] =	vst v63  }
0x196: {  	_ =	swait.ge [sflag:s25], $0x4000  }
0x197: {  	[sflag:s25] =	ssyncset.done $0x0  }
0x198: {  	[sflag:s25] =	ssyncadd.s32 $0xFFFFC000  }
0x199: {  	[hbm4b:s14+s2] =	stream.linear.scatter [tilespmem:s22], [sflag:$0xD], $0x4000, $0x38;
	[tilespmem:$0x1C000] =	vst v63  }
0x19a: {  	_ =	swait.ge [sflag:s3], $0x4000  }
0x19b: {  	[sflag:s3] =	ssyncset.done $0x0  }
0x19c: {  	[sflag:s3] =	ssyncadd.s32 $0xFFFFC000  }
0x19d: {  	[tilespmem:s6], [sflag:$0x2] =	stream.linear.gather [hbm4b:s10+s2], $0x4000, $0x38;
	[tilespmem:$0x1C000] =	vst v63  }
0x19e: {  	_ =	swait.ge [sflag:s23], $0x4000  }
0x19f: {  	[sflag:s23] =	ssyncset.done $0x0  }
0x1a0: {  	[sflag:s23] =	ssyncadd.s32 $0xFFFFC000  }
0x1a1: {  	[hbm4b:s8+s2] =	stream.linear.scatter [tilespmem:s21], [sflag:$0xE], $0x4000, $0x38;
	[tilespmem:$0x1C000] =	vst v63  }
0x1a2: {  	_ =	swait.ge [sflag:s11], $0x4000  }
0x1a3: {  	[sflag:s11] =	ssyncset.done $0x0  }
0x1a4: {  	[sflag:s11] =	ssyncadd.s32 $0xFFFFC000  }
0x1a5: {  	[hbm4b:s7+s2] =	stream.linear.scatter [tilespmem:s2], [sflag:$0x8], $0x4000, $0x38;
	[tilespmem:$0x1C000] =	vst v63  }
0x1a6: {  	_ =	swait.ge [sflag:s9], $0x4000  }
0x1a7: {  	[sflag:s9] =	ssyncset.done $0x0  }
0x1a8: {  	[sflag:s9] =	ssyncadd.s32 $0xFFFFC000  }
0x1a9: {  	[hbm4b:s5+s2] =	stream.linear.scatter [tilespmem:s6], [sflag:$0x9], $0x4000, $0x38;
	[tilespmem:$0x1C000] =	vst v63  }
0x1aa: {  	_ =	swait.ge [sflag:s19], $0x4000  }
0x1ab: {  	[sflag:s19] =	ssyncset.done $0x0  }
0x1ac: {  	[sflag:s19] =	ssyncadd.s32 $0xFFFFC000  }
0x1ad: {  	_ =	swait.ge [sflag:s17], $0x4000  }
0x1ae: {  	[sflag:s17] =	ssyncset.done $0x0  }
0x1af: {  	[sflag:s17] =	ssyncadd.s32 $0xFFFFC000  }
0x1b0: {  	_ =	swait.ge [sflag:s15], $0x4000  }
0x1b1: {  	[sflag:s15] =	ssyncset.done $0x0  }
0x1b2: {  	[sflag:s15] =	ssyncadd.s32 $0xFFFFC000  }
0x1b3: {  	_ =	swait.ge [sflag:s13], $0x4000  }
0x1b4: {  	[sflag:s13] =	ssyncset.done $0x0  }
0x1b5: {  	[sflag:s13] =	ssyncadd.s32 $0xFFFFC000  }
0x1b6: {  	_ =	swait.ge [sflag:s12], $0x4000  }
0x1b7: {  	[sflag:s12] =	ssyncset.done $0x0  }
0x1b8: {  	[sflag:s12] =	ssyncadd.s32 $0xFFFFC000  }
0x1b9: {  	_ =	swait.ge [sflag:s4], $0x4000  }
0x1ba: {  	[sflag:s4] =	ssyncset.done $0x0  }
0x1bb: {  	[sflag:s4] =	ssyncadd.s32 $0xFFFFC000  }
0x1bc: {  	_ =	swait.ge [sflag:s3], $0x4000  }
0x1bd: {  	[sflag:s3] =	ssyncset.done $0x0  }
0x1be: {  	[sflag:s3] =	ssyncadd.s32 $0xFFFFC000  }
0x1bf: {  	_ =	sfence.sel $0x180000  }
0x1c0: {  	[bflag:$0x0] =	sbarrier.arrive $0xFFFF  }
0x1c1: {  	_ =	strace $0x90000047  }
0x1c2: {  	s31 =	stileid.u32;
	[bflag:$0x2] =	sbarrier.arrive $0xFFFF  }
0x1c3: {  	p0 =	sne.s32 s31, $0x0;
	s0 =	rddreg [dreg:$0x2]  }
0x1c4: {  	s0 =	sadd.s32 @!p0 $0x100000, s0  }
0x1c5: {  	[sflag:s0] =	ssyncadd.tile.s32 @!p0 $0x1;
	_ =	shalt  }
.Lfunc_end2:
_tile_overlayer_lowered:
.L_overlay_start_2:
0x1c6: {  	(tag) =	ssettag $0x2  }
0x1c7: {  	s0 =	rddreg [dreg:$0x0];
	s2 =	stileid.u32  }
0x1c8: {  	s1 =	rddreg [dreg:$0x1];
	p0 =	sne.s32 s2, $0x0  }
0x1c9: {  	s3 =	rddreg [dreg:$0x2];
	[bflag:$0x3] =	sbarrier.arrive $0xFFFF;
	s2 =	simm.s32 @!p0 $0x1C0F  }
0x1ca: {  	[timem:s3], [sflag:s2] =	dma.local @!p0 [hbm:s0], s1  }
0x1cb: {  	s0 =	simm.s32 @!p0 $0xF  }
0x1cc: {  	_ =	swait.ge @!p0 [sflag:s0], s1  }
0x1cd: {  	s1 =	ssub.s32 @!p0 $0x0, s1;
	[sflag:s0] =	ssyncset.done @!p0 $0x0  }
0x1ce: {  	[sflag:s0] =	ssyncadd.s32 @!p0 s1  }
0x1cf: {  	[bflag:$0x3] =	sbarrier.arrive $0xFFFF  }
0x1d0: {  	_ =	shalt  }

</sc_bundles>
